<compile_context>
chip_gen: v7x
topology: tpu7x:2x2x1
jax: 0.10.2.dev20260603
libtpu: 0.0.44.dev20260713+nightly
codegen_flags: <defaults>
</compile_context>

<pallas_src>
import jax
import jax.numpy as jnp
from jax import lax
from jax.experimental import pallas as pl
from jax.experimental.pallas import tpu as pltpu
from jax.experimental.pallas import tpu_sc as plsc

N_NODES = 10000
N_EDGES = 320000
D_FEAT = 128
HIDDEN = 64
BN_EPS = 1e-5
NEG_SLOPE = 0.01

NC = 2
NS = 16
NW = NC * NS
EDGES_PER_W = N_EDGES // NW
CHUNK = 80
NCHUNK = EDGES_PER_W // CHUNK

PACK = 2 * HIDDEN
ACC_ROWS = N_NODES // 2 + 8
DUMP_STRIPE = 312
DUMP_LAST = ACC_ROWS - DUMP_STRIPE * (NS - 1)


def _lrelu(h):
    return jnp.maximum(h, NEG_SLOPE * h)


def _gather_body(src2_hbm, dst2_hbm, x_hbm, xs_out, xd_out, *scr):
    ia = scr[0]
    ib = scr[1]
    buf_s = scr[2:5]
    buf_d = scr[5:8]
    gsem_s = scr[8:11]
    gsem_d = scr[11:14]
    wsem_s = scr[14:17]
    wsem_d = scr[17:20]

    wid = lax.axis_index("s") * NC + lax.axis_index("c")
    base = wid * EDGES_PER_W

    pltpu.sync_copy(src2_hbm.at[wid], ia)
    pltpu.sync_copy(dst2_hbm.at[wid], ib)

    def start(c, k):
        pltpu.async_copy(x_hbm.at[ia.at[c]], buf_s[k], gsem_s[k])
        pltpu.async_copy(x_hbm.at[ib.at[c]], buf_d[k], gsem_d[k])

    def wait_gather(c, k):
        pltpu.make_async_copy(x_hbm.at[ia.at[c]], buf_s[k], gsem_s[k]).wait()
        pltpu.make_async_copy(x_hbm.at[ib.at[c]], buf_d[k], gsem_d[k]).wait()

    def start_writeback(c, k):
        off = base + c * CHUNK
        pltpu.async_copy(buf_s[k], xs_out.at[pl.ds(off, CHUNK)], wsem_s[k])
        pltpu.async_copy(buf_d[k], xd_out.at[pl.ds(off, CHUNK)], wsem_d[k])

    def wait_writeback(c, k):
        off = base + c * CHUNK
        pltpu.make_async_copy(buf_s[k], xs_out.at[pl.ds(off, CHUNK)],
                              wsem_s[k]).wait()
        pltpu.make_async_copy(buf_d[k], xd_out.at[pl.ds(off, CHUNK)],
                              wsem_d[k]).wait()

    start(0, 0)
    start(1, 1)

    def body(j, carry):
        c0 = 3 * j
        for k in range(3):
            c = c0 + k
            s2 = (k + 2) % 3
            if k == 0:
                @pl.when(j >= 1)
                def _():
                    wait_writeback(c - 1, s2)
            else:
                wait_writeback(c - 1, s2)
            start(c + 2, s2)
            wait_gather(c, k)
            start_writeback(c, k)
        return carry

    lax.fori_loop(0, (NCHUNK - 2) // 3, body, 0)

    wait_gather(NCHUNK - 2, 0)
    start_writeback(NCHUNK - 2, 0)
    wait_gather(NCHUNK - 1, 1)
    start_writeback(NCHUNK - 1, 1)
    wait_writeback(NCHUNK - 3, 2)
    wait_writeback(NCHUNK - 2, 0)
    wait_writeback(NCHUNK - 1, 1)


def _gather(src2, dst2, x):
    mesh = plsc.VectorSubcoreMesh(core_axis_name="c", subcore_axis_name="s")
    f32 = jnp.float32
    kern = pl.kernel(
        _gather_body,
        mesh=mesh,
        out_type=(
            jax.ShapeDtypeStruct((N_EDGES, D_FEAT), f32),
            jax.ShapeDtypeStruct((N_EDGES, D_FEAT), f32),
        ),
        scratch_types=(
            [pltpu.VMEM((NCHUNK, CHUNK), jnp.int32)] * 2
            + [pltpu.VMEM((CHUNK, D_FEAT), f32)] * 6
            + [pltpu.SemaphoreType.DMA] * 12
        ),
    )
    return kern(src2, dst2, x)


def _mlp_body(xs_ref, xd_ref, w_ref, s1a_ref, t1a_ref, w1a_ref,
              s1b_ref, t1b_ref, w1b_ref, b1_ref,
              s2_ref, t2_ref, w2_ref, b2_ref, m_ref):
    xi = xd_ref[...]
    xj = xs_ref[...]
    ha = jnp.dot(_lrelu(xi * s1a_ref[...] + t1a_ref[...]), w1a_ref[...],
                 preferred_element_type=jnp.float32)
    hb = jnp.dot(_lrelu((xj - xi) * s1b_ref[...] + t1b_ref[...]), w1b_ref[...],
                 preferred_element_type=jnp.float32)
    h1 = ha + hb + b1_ref[...]
    h2 = jnp.dot(_lrelu(h1 * s2_ref[...] + t2_ref[...]), w2_ref[...],
                 preferred_element_type=jnp.float32) + b2_ref[...]
    m_ref[:, :HIDDEN] = h2 * w_ref[:, 0:1]
    m_ref[:, HIDDEN:] = h2 * w_ref[:, 1:2]


def _mlp(xs, xd, w2c, s1a, t1a, w1a, s1b, t1b, w1b, b1, s2, t2, w2, b2):
    rows = 2560
    grid = N_EDGES // rows
    vec = lambda n: pl.BlockSpec((1, n), lambda i: (0, 0))
    return pl.pallas_call(
        _mlp_body,
        grid=(grid,),
        in_specs=[
            pl.BlockSpec((rows, D_FEAT), lambda i: (i, 0)),
            pl.BlockSpec((rows, D_FEAT), lambda i: (i, 0)),
            pl.BlockSpec((rows, 2), lambda i: (i, 0)),
            vec(D_FEAT), vec(D_FEAT),
            pl.BlockSpec((D_FEAT, HIDDEN), lambda i: (0, 0)),
            vec(D_FEAT), vec(D_FEAT),
            pl.BlockSpec((D_FEAT, HIDDEN), lambda i: (0, 0)),
            vec(HIDDEN), vec(HIDDEN), vec(HIDDEN),
            pl.BlockSpec((HIDDEN, HIDDEN), lambda i: (0, 0)),
            vec(HIDDEN),
        ],
        out_specs=pl.BlockSpec((rows, PACK), lambda i: (i, 0)),
        out_shape=jax.ShapeDtypeStruct((N_EDGES, PACK), jnp.float32),
    )(xs, xd, w2c, s1a, t1a, w1a, s1b, t1b, w1b, b1, s2, t2, w2, b2)


EDGES_PER_SC_TILE = N_EDGES // NC // NS
NCHUNK_SC = EDGES_PER_SC_TILE // CHUNK


def _scatter_body(dst2_hbm, m_hbm, out_hbm, *scr):
    idx2 = scr[0]
    m_buf = scr[1:4]
    lsem_m = scr[4:7]
    ssem = scr[7:10]
    z_buf = scr[10]
    acc = scr[11]

    cid = lax.axis_index("c")
    sid = lax.axis_index("s")
    base = cid * (N_EDGES // NC) + sid * EDGES_PER_SC_TILE
    widsc = cid * NS + sid

    pltpu.sync_copy(dst2_hbm.at[widsc], idx2)

    def tr(i, carry):
        r = i // (CHUNK // 16)
        g = (i % (CHUNK // 16)) * 16
        idx2[r, pl.ds(g, 16)] = \
            lax.shift_right_logical(idx2[r, pl.ds(g, 16)], 1)
        return carry

    lax.fori_loop(0, NCHUNK_SC * (CHUNK // 16), tr, 0)

    def zero(i, carry):
        r = i // (PACK // 16)
        c = (i % (PACK // 16)) * 16
        z_buf[r, pl.ds(c, 16)] = jnp.zeros((16,), jnp.float32)
        return carry

    lax.fori_loop(0, DUMP_LAST * (PACK // 16), zero, 0)

    @pl.when(sid < NS - 1)
    def _():
        pltpu.sync_copy(z_buf.at[pl.ds(0, DUMP_STRIPE)],
                        acc.at[pl.ds(sid * DUMP_STRIPE, DUMP_STRIPE)])

    @pl.when(sid == NS - 1)
    def _():
        pltpu.sync_copy(z_buf, acc.at[pl.ds((NS - 1) * DUMP_STRIPE, DUMP_LAST)])

    plsc.subcore_barrier()

    def start_load(c, k):
        off = base + c * CHUNK
        pltpu.async_copy(m_hbm.at[pl.ds(off, CHUNK)], m_buf[k], lsem_m[k])

    def complete(c, k):
        off = base + c * CHUNK
        pltpu.make_async_copy(m_hbm.at[pl.ds(off, CHUNK)], m_buf[k],
                              lsem_m[k]).wait()
        pltpu.async_copy(m_buf[k], acc.at[idx2.at[c]], ssem[k], add=True)

    def wait_scatter(c, k):
        pltpu.make_async_copy(m_buf[k], acc.at[idx2.at[c]], ssem[k]).wait()

    start_load(0, 0)
    start_load(1, 1)

    def body(j, carry):
        c0 = 3 * j
        for k in range(3):
            c = c0 + k
            s2 = (k + 2) % 3
            if k == 0:
                @pl.when(j >= 1)
                def _():
                    wait_scatter(c - 1, s2)
            else:
                wait_scatter(c - 1, s2)
            start_load(c + 2, s2)
            complete(c, k)
        return carry

    lax.fori_loop(0, (NCHUNK_SC - 2) // 3, body, 0)

    complete(NCHUNK_SC - 2, 0)
    complete(NCHUNK_SC - 1, 1)
    wait_scatter(NCHUNK_SC - 3, 2)
    wait_scatter(NCHUNK_SC - 2, 0)
    wait_scatter(NCHUNK_SC - 1, 1)
    plsc.subcore_barrier()

    @pl.when(sid < NS - 1)
    def _():
        pltpu.sync_copy(acc.at[pl.ds(sid * DUMP_STRIPE, DUMP_STRIPE)],
                        out_hbm.at[cid, pl.ds(sid * DUMP_STRIPE, DUMP_STRIPE)])

    @pl.when(sid == NS - 1)
    def _():
        pltpu.sync_copy(acc.at[pl.ds((NS - 1) * DUMP_STRIPE, DUMP_LAST)],
                        out_hbm.at[cid, pl.ds((NS - 1) * DUMP_STRIPE, DUMP_LAST)])


def _scatter(dst2, m):
    mesh = plsc.VectorSubcoreMesh(core_axis_name="c", subcore_axis_name="s")
    kern = pl.kernel(
        _scatter_body,
        mesh=mesh,
        out_type=jax.ShapeDtypeStruct((NC, ACC_ROWS, PACK), jnp.float32),
        scratch_types=(
            [pltpu.VMEM((NCHUNK_SC, CHUNK), jnp.int32)]
            + [pltpu.VMEM((CHUNK, PACK), jnp.float32)] * 3
            + [pltpu.SemaphoreType.DMA] * 6
            + [pltpu.VMEM((DUMP_LAST, PACK), jnp.float32),
               pltpu.VMEM_SHARED((ACC_ROWS, PACK), jnp.float32)]
        ),
    )
    return kern(dst2, m)


def _combine_body(p_ref, o_ref):
    o_ref[...] = p_ref[0] + p_ref[1]


def _combine(partials):
    rows = 2504
    grid = ACC_ROWS // rows
    return pl.pallas_call(
        _combine_body,
        grid=(grid,),
        in_specs=[pl.BlockSpec((NC, rows, PACK), lambda i: (0, i, 0))],
        out_specs=pl.BlockSpec((rows, PACK), lambda i: (i, 0)),
        out_shape=jax.ShapeDtypeStruct((ACC_ROWS, PACK), jnp.float32),
    )(partials)


def kernel(x, edge_index, edge_weight, bn1_gamma, bn1_beta, W1, b1,
           bn2_gamma, bn2_beta, W2, b2):
    src = edge_index[0]
    dst = edge_index[1]
    inv = 1.0 / jnp.sqrt(1.0 + BN_EPS)
    s1 = bn1_gamma * inv
    s1a = s1[:D_FEAT].reshape(1, D_FEAT)
    s1b = s1[D_FEAT:].reshape(1, D_FEAT)
    t1a = bn1_beta[:D_FEAT].reshape(1, D_FEAT)
    t1b = bn1_beta[D_FEAT:].reshape(1, D_FEAT)
    s2 = (bn2_gamma * inv).reshape(1, HIDDEN)
    t2 = bn2_beta.reshape(1, HIDDEN)

    src2 = src.reshape(NW, NCHUNK, CHUNK)
    dst2 = dst.reshape(NW, NCHUNK, CHUNK)
    parity = (dst & 1).astype(jnp.float32)
    w2c = jnp.stack([edge_weight * (1.0 - parity), edge_weight * parity],
                    axis=1)

    xs, xd = _gather(src2, dst2, x)
    m = _mlp(xs, xd, w2c,
             s1a, t1a, W1[:D_FEAT], s1b, t1b, W1[D_FEAT:],
             b1.reshape(1, HIDDEN), s2, t2, W2, b2.reshape(1, HIDDEN))
    packed = _combine(_scatter(dst2, m))
    return packed.reshape(ACC_ROWS * 2, HIDDEN)[:N_NODES]

# --- scband reference (transcript-rebuilt; emitter-appended) ---
"""Pipeline reference for scband-gnn-39943195853447 (READ-ONLY COPY).

The authoritative reference and input builder live on the scoring server;
editing this copy changes nothing except your own understanding.
"""

import jax, jax.numpy as jnp
import numpy as np

N_NODES = 10000
N_EDGES = 320000
D_FEAT = 128
HIDDEN = 64
BN_EPS = 1e-5
NEG_SLOPE = 0.01


def _leaky_relu(h):
    return jnp.where(h > 0, h, NEG_SLOPE * h)


def _bn_eval(h, gamma, beta):
    # BatchNorm1d in eval mode with running_mean=0, running_var=1
    return (h / jnp.sqrt(1.0 + BN_EPS)) * gamma + beta


def setup_inputs(seed: int = 0) -> dict:
    key = jax.random.key(seed)
    ks = jax.random.split(key, 12)
    x = jax.random.normal(ks[0], (N_NODES, D_FEAT), dtype=jnp.float32)
    edge_index = jax.random.randint(ks[1], (2, N_EDGES), 0, N_NODES, dtype=jnp.int64 if jax.config.jax_enable_x64 else jnp.int32).astype(jnp.int32)
    edge_weight = jax.random.uniform(ks[2], (N_EDGES,), dtype=jnp.float32)
    # MLP(2*D_FEAT, HIDDEN, HIDDEN): BN(2d) -> LeakyReLU -> Dropout(0) -> Linear(2d,h) -> BN(h) -> LeakyReLU -> Dropout(0) -> Linear(h,h)
    bn1_gamma = jnp.ones((2 * D_FEAT,), dtype=jnp.float32)
    bn1_beta = jnp.zeros((2 * D_FEAT,), dtype=jnp.float32)
    W1 = jax.random.normal(ks[3], (2 * D_FEAT, HIDDEN), dtype=jnp.float32) * (1.0 / np.sqrt(2 * D_FEAT))
    b1 = jnp.zeros((HIDDEN,), dtype=jnp.float32)
    bn2_gamma = jnp.ones((HIDDEN,), dtype=jnp.float32)
    bn2_beta = jnp.zeros((HIDDEN,), dtype=jnp.float32)
    W2 = jax.random.normal(ks[4], (HIDDEN, HIDDEN), dtype=jnp.float32) * (1.0 / np.sqrt(HIDDEN))
    b2 = jnp.zeros((HIDDEN,), dtype=jnp.float32)
    return {"x": x, "edge_index": edge_index, "edge_weight": edge_weight,
            "bn1_gamma": bn1_gamma, "bn1_beta": bn1_beta, "W1": W1, "b1": b1,
            "bn2_gamma": bn2_gamma, "bn2_beta": bn2_beta, "W2": W2, "b2": b2}


def reference(x, edge_index, edge_weight, bn1_gamma, bn1_beta, W1, b1, bn2_gamma, bn2_beta, W2, b2):
    # WeightedEdgeConv (PyG EdgeConv with edge weights), aggr='add'.
    src = edge_index[0]  # x_j
    dst = edge_index[1]  # x_i (aggregation target)
    x_i = jnp.take(x, dst, axis=0)
    x_j = jnp.take(x, src, axis=0)
    h = jnp.concatenate([x_i, x_j - x_i], axis=-1)  # [E, 2d]
    h = _bn_eval(h, bn1_gamma, bn1_beta)
    h = _leaky_relu(h)
    h = h @ W1 + b1
    h = _bn_eval(h, bn2_gamma, bn2_beta)
    h = _leaky_relu(h)
    h = h @ W2 + b2
    m = edge_weight[:, None] * h  # message
    out = jax.ops.segment_sum(m, dst, num_segments=x.shape[0])
    return out

if __name__ == "__main__":
    import jax
    _d = setup_inputs()
    print(jax.jit(kernel)(*tuple(_d.values())))

</pallas_src>

<mosaic_0001>
#map = affine_map<(d0, d1) -> (0, 0, 0)>
#map1 = affine_map<(d0, d1) -> (0, 0)>
module attributes {stable_mosaic.version = 14 : i64} {
  func.func @_gather_body(%arg0: i32, %arg1: i32, %arg2: memref<32x125x80xi32, #tpu.memory_space<hbm>>, %arg3: memref<32x125x80xi32, #tpu.memory_space<hbm>>, %arg4: memref<10000x128xf32, #tpu.memory_space<hbm>>, %arg5: memref<320000x128xf32, #tpu.memory_space<hbm>>, %arg6: memref<320000x128xf32, #tpu.memory_space<hbm>>, %arg7: memref<125x80xi32, #tpu.memory_space<vmem>>, %arg8: memref<125x80xi32, #tpu.memory_space<vmem>>, %arg9: memref<80x128xf32, #tpu.memory_space<vmem>>, %arg10: memref<80x128xf32, #tpu.memory_space<vmem>>, %arg11: memref<80x128xf32, #tpu.memory_space<vmem>>, %arg12: memref<80x128xf32, #tpu.memory_space<vmem>>, %arg13: memref<80x128xf32, #tpu.memory_space<vmem>>, %arg14: memref<80x128xf32, #tpu.memory_space<vmem>>, %arg15: memref<!tpu.dma_semaphore, #tpu.memory_space<semaphore_mem>>, %arg16: memref<!tpu.dma_semaphore, #tpu.memory_space<semaphore_mem>>, %arg17: memref<!tpu.dma_semaphore, #tpu.memory_space<semaphore_mem>>, %arg18: memref<!tpu.dma_semaphore, #tpu.memory_space<semaphore_mem>>, %arg19: memref<!tpu.dma_semaphore, #tpu.memory_space<semaphore_mem>>, %arg20: memref<!tpu.dma_semaphore, #tpu.memory_space<semaphore_mem>>, %arg21: memref<!tpu.dma_semaphore, #tpu.memory_space<semaphore_mem>>, %arg22: memref<!tpu.dma_semaphore, #tpu.memory_space<semaphore_mem>>, %arg23: memref<!tpu.dma_semaphore, #tpu.memory_space<semaphore_mem>>, %arg24: memref<!tpu.dma_semaphore, #tpu.memory_space<semaphore_mem>>, %arg25: memref<!tpu.dma_semaphore, #tpu.memory_space<semaphore_mem>>, %arg26: memref<!tpu.dma_semaphore, #tpu.memory_space<semaphore_mem>>) attributes {dimension_semantics = [#tpu.dimension_semantics<core_parallel>, #tpu.dimension_semantics<subcore_parallel>], iteration_bounds = array<i64: 2, 16>, scalar_prefetch = 0 : i64, scratch_operands = 20 : i64, tpu.core_type = #tpu.core_type<sc_vector_subcore>, window_params = [{transform_indices = #map}, {transform_indices = #map}, {transform_indices = #map1}, {transform_indices = #map1}, {transform_indices = #map1}]} {
    %mul3A = arith.constant 2 : i32
    %mul3A_0 = arith.muli %arg1, %mul3A : i32
    %add3A = arith.addi %mul3A_0, %arg0 : i32
    %mul3A_1 = arith.constant 10000 : i32
    %mul3A_2 = arith.muli %add3A, %mul3A_1 : i32
    "tpu.region"() ({
      %run_scoped3A = tpu.sem_alloc : memref<!tpu.dma_semaphore, #tpu.memory_space<semaphore_mem>>
      %dma_start3A_112 = arith.constant 0 : i32
      %dma_start3A_113 = arith.constant 0 : i32
      %dma_start3A_114 = tpu.memref_slice %arg2[%add3A, %dma_start3A_112, %dma_start3A_113] : memref<32x125x80xi32, #tpu.memory_space<hbm>> -> memref<1x125x80xi32, #tpu.memory_space<hbm>>
      %dma_start3A_115 = tpu.memref_squeeze %dma_start3A_114 : memref<1x125x80xi32, #tpu.memory_space<hbm>> -> memref<125x80xi32, #tpu.memory_space<hbm>>
      %dma_start3A_116 = arith.constant 0 : i32
      %dma_start3A_117 = arith.constant 0 : i32
      %dma_start3A_118 = tpu.memref_slice %arg2[%add3A, %dma_start3A_116, %dma_start3A_117] : memref<32x125x80xi32, #tpu.memory_space<hbm>> -> memref<1x125x80xi32, #tpu.memory_space<hbm>>
      %dma_start3A_119 = tpu.memref_squeeze %dma_start3A_118 : memref<1x125x80xi32, #tpu.memory_space<hbm>> -> memref<125x80xi32, #tpu.memory_space<hbm>>
      tpu.enqueue_dma source(%dma_start3A_119 : memref<125x80xi32, #tpu.memory_space<hbm>>) target(%arg7 : memref<125x80xi32, #tpu.memory_space<vmem>>) target_semaphore(%run_scoped3A : memref<!tpu.dma_semaphore, #tpu.memory_space<semaphore_mem>>)
      %dma_wait3A_120 = arith.constant 0 : i32
      %dma_wait3A_121 = arith.constant 0 : i32
      %dma_wait3A_122 = tpu.memref_slice %arg2[%add3A, %dma_wait3A_120, %dma_wait3A_121] : memref<32x125x80xi32, #tpu.memory_space<hbm>> -> memref<1x125x80xi32, #tpu.memory_space<hbm>>
      %dma_wait3A_123 = tpu.memref_squeeze %dma_wait3A_122 : memref<1x125x80xi32, #tpu.memory_space<hbm>> -> memref<125x80xi32, #tpu.memory_space<hbm>>
      %dma_wait3A_124 = arith.constant 0 : i32
      %dma_wait3A_125 = arith.constant 0 : i32
      %dma_wait3A_126 = tpu.memref_slice %arg2[%add3A, %dma_wait3A_124, %dma_wait3A_125] : memref<32x125x80xi32, #tpu.memory_space<hbm>> -> memref<1x125x80xi32, #tpu.memory_space<hbm>>
      %dma_wait3A_127 = tpu.memref_squeeze %dma_wait3A_126 : memref<1x125x80xi32, #tpu.memory_space<hbm>> -> memref<125x80xi32, #tpu.memory_space<hbm>>
      tpu.wait_dma2 semaphore(%run_scoped3A : memref<!tpu.dma_semaphore, #tpu.memory_space<semaphore_mem>>) src(%dma_wait3A_127 : memref<125x80xi32, #tpu.memory_space<hbm>>) dst(%arg7 : memref<125x80xi32, #tpu.memory_space<vmem>>)
      tpu.yield
    }) : () -> ()
    "tpu.region"() ({
      %run_scoped3A = tpu.sem_alloc : memref<!tpu.dma_semaphore, #tpu.memory_space<semaphore_mem>>
      %dma_start3A_112 = arith.constant 0 : i32
      %dma_start3A_113 = arith.constant 0 : i32
      %dma_start3A_114 = tpu.memref_slice %arg3[%add3A, %dma_start3A_112, %dma_start3A_113] : memref<32x125x80xi32, #tpu.memory_space<hbm>> -> memref<1x125x80xi32, #tpu.memory_space<hbm>>
      %dma_start3A_115 = tpu.memref_squeeze %dma_start3A_114 : memref<1x125x80xi32, #tpu.memory_space<hbm>> -> memref<125x80xi32, #tpu.memory_space<hbm>>
      %dma_start3A_116 = arith.constant 0 : i32
      %dma_start3A_117 = arith.constant 0 : i32
      %dma_start3A_118 = tpu.memref_slice %arg3[%add3A, %dma_start3A_116, %dma_start3A_117] : memref<32x125x80xi32, #tpu.memory_space<hbm>> -> memref<1x125x80xi32, #tpu.memory_space<hbm>>
      %dma_start3A_119 = tpu.memref_squeeze %dma_start3A_118 : memref<1x125x80xi32, #tpu.memory_space<hbm>> -> memref<125x80xi32, #tpu.memory_space<hbm>>
      tpu.enqueue_dma source(%dma_start3A_119 : memref<125x80xi32, #tpu.memory_space<hbm>>) target(%arg8 : memref<125x80xi32, #tpu.memory_space<vmem>>) target_semaphore(%run_scoped3A : memref<!tpu.dma_semaphore, #tpu.memory_space<semaphore_mem>>)
      %dma_wait3A_120 = arith.constant 0 : i32
      %dma_wait3A_121 = arith.constant 0 : i32
      %dma_wait3A_122 = tpu.memref_slice %arg3[%add3A, %dma_wait3A_120, %dma_wait3A_121] : memref<32x125x80xi32, #tpu.memory_space<hbm>> -> memref<1x125x80xi32, #tpu.memory_space<hbm>>
      %dma_wait3A_123 = tpu.memref_squeeze %dma_wait3A_122 : memref<1x125x80xi32, #tpu.memory_space<hbm>> -> memref<125x80xi32, #tpu.memory_space<hbm>>
      %dma_wait3A_124 = arith.constant 0 : i32
      %dma_wait3A_125 = arith.constant 0 : i32
      %dma_wait3A_126 = tpu.memref_slice %arg3[%add3A, %dma_wait3A_124, %dma_wait3A_125] : memref<32x125x80xi32, #tpu.memory_space<hbm>> -> memref<1x125x80xi32, #tpu.memory_space<hbm>>
      %dma_wait3A_127 = tpu.memref_squeeze %dma_wait3A_126 : memref<1x125x80xi32, #tpu.memory_space<hbm>> -> memref<125x80xi32, #tpu.memory_space<hbm>>
      tpu.wait_dma2 semaphore(%run_scoped3A : memref<!tpu.dma_semaphore, #tpu.memory_space<semaphore_mem>>) src(%dma_wait3A_127 : memref<125x80xi32, #tpu.memory_space<hbm>>) dst(%arg8 : memref<125x80xi32, #tpu.memory_space<vmem>>)
      tpu.yield
    }) : () -> ()
    %dma_start3A = arith.constant 0 : i32
    %dma_start3A_3 = arith.constant 0 : i32
    %dma_start3A_4 = tpu.memref_slice %arg7[%dma_start3A, %dma_start3A_3] : memref<125x80xi32, #tpu.memory_space<vmem>> -> memref<1x80xi32, #tpu.memory_space<vmem>>
    %dma_start3A_5 = tpu.memref_squeeze %dma_start3A_4 : memref<1x80xi32, #tpu.memory_space<vmem>> -> memref<80xi32, #tpu.memory_space<vmem>>
    %dma_start3A_6 = arith.constant 0 : i32
    %dma_start3A_7 = arith.constant 0 : i32
    %dma_start3A_8 = tpu.memref_slice %arg4[%dma_start3A_6, %dma_start3A_7] : memref<10000x128xf32, #tpu.memory_space<hbm>> -> memref<10000x128xf32, #tpu.memory_space<hbm>>
    tpu.enqueue_indirect_dma source(%dma_start3A_8 : memref<10000x128xf32, #tpu.memory_space<hbm>>) target(%arg9 : memref<80x128xf32, #tpu.memory_space<vmem>>) offsets(%dma_start3A_5 : memref<80xi32, #tpu.memory_space<vmem>>) semaphore(%arg15 : memref<!tpu.dma_semaphore, #tpu.memory_space<semaphore_mem>>)
    %dma_start3A_9 = arith.constant 0 : i32
    %dma_start3A_10 = arith.constant 0 : i32
    %dma_start3A_11 = tpu.memref_slice %arg8[%dma_start3A_9, %dma_start3A_10] : memref<125x80xi32, #tpu.memory_space<vmem>> -> memref<1x80xi32, #tpu.memory_space<vmem>>
    %dma_start3A_12 = tpu.memref_squeeze %dma_start3A_11 : memref<1x80xi32, #tpu.memory_space<vmem>> -> memref<80xi32, #tpu.memory_space<vmem>>
    %dma_start3A_13 = arith.constant 0 : i32
    %dma_start3A_14 = arith.constant 0 : i32
    %dma_start3A_15 = tpu.memref_slice %arg4[%dma_start3A_13, %dma_start3A_14] : memref<10000x128xf32, #tpu.memory_space<hbm>> -> memref<10000x128xf32, #tpu.memory_space<hbm>>
    tpu.enqueue_indirect_dma source(%dma_start3A_15 : memref<10000x128xf32, #tpu.memory_space<hbm>>) target(%arg12 : memref<80x128xf32, #tpu.memory_space<vmem>>) offsets(%dma_start3A_12 : memref<80xi32, #tpu.memory_space<vmem>>) semaphore(%arg18 : memref<!tpu.dma_semaphore, #tpu.memory_space<semaphore_mem>>)
    %dma_start3A_16 = arith.constant 1 : i32
    %dma_start3A_17 = arith.constant 0 : i32
    %dma_start3A_18 = tpu.memref_slice %arg7[%dma_start3A_16, %dma_start3A_17] : memref<125x80xi32, #tpu.memory_space<vmem>> -> memref<1x80xi32, #tpu.memory_space<vmem>>
    %dma_start3A_19 = tpu.memref_squeeze %dma_start3A_18 : memref<1x80xi32, #tpu.memory_space<vmem>> -> memref<80xi32, #tpu.memory_space<vmem>>
    %dma_start3A_20 = arith.constant 0 : i32
    %dma_start3A_21 = arith.constant 0 : i32
    %dma_start3A_22 = tpu.memref_slice %arg4[%dma_start3A_20, %dma_start3A_21] : memref<10000x128xf32, #tpu.memory_space<hbm>> -> memref<10000x128xf32, #tpu.memory_space<hbm>>
    tpu.enqueue_indirect_dma source(%dma_start3A_22 : memref<10000x128xf32, #tpu.memory_space<hbm>>) target(%arg10 : memref<80x128xf32, #tpu.memory_space<vmem>>) offsets(%dma_start3A_19 : memref<80xi32, #tpu.memory_space<vmem>>) semaphore(%arg16 : memref<!tpu.dma_semaphore, #tpu.memory_space<semaphore_mem>>)
    %dma_start3A_23 = arith.constant 1 : i32
    %dma_start3A_24 = arith.constant 0 : i32
    %dma_start3A_25 = tpu.memref_slice %arg8[%dma_start3A_23, %dma_start3A_24] : memref<125x80xi32, #tpu.memory_space<vmem>> -> memref<1x80xi32, #tpu.memory_space<vmem>>
    %dma_start3A_26 = tpu.memref_squeeze %dma_start3A_25 : memref<1x80xi32, #tpu.memory_space<vmem>> -> memref<80xi32, #tpu.memory_space<vmem>>
    %dma_start3A_27 = arith.constant 0 : i32
    %dma_start3A_28 = arith.constant 0 : i32
    %dma_start3A_29 = tpu.memref_slice %arg4[%dma_start3A_27, %dma_start3A_28] : memref<10000x128xf32, #tpu.memory_space<hbm>> -> memref<10000x128xf32, #tpu.memory_space<hbm>>
    tpu.enqueue_indirect_dma source(%dma_start3A_29 : memref<10000x128xf32, #tpu.memory_space<hbm>>) target(%arg13 : memref<80x128xf32, #tpu.memory_space<vmem>>) offsets(%dma_start3A_26 : memref<80xi32, #tpu.memory_space<vmem>>) semaphore(%arg19 : memref<!tpu.dma_semaphore, #tpu.memory_space<semaphore_mem>>)
    %scan3A = arith.constant 0 : i32
    %scan3A_30 = arith.constant 0 : i32
    %scan3A_31 = arith.constant 41 : i32
    %scan3A_32 = arith.addi %scan3A_30, %scan3A_31 : i32
    %scan3A_33 = arith.constant 1 : i32
    scf.for %scan3A_112 = %scan3A_30 to %scan3A_32 step %scan3A_33  : i32 {
      %mul3A_113 = arith.constant 3 : i32
      %mul3A_114 = arith.muli %mul3A_113, %scan3A_112 : i32
      %add3A_115 = arith.constant 0 : i32
      %add3A_116 = arith.addi %mul3A_114, %add3A_115 : i32
      %ge3A = arith.constant 1 : i32
      %ge3A_117 = arith.cmpi sge, %scan3A_112, %ge3A : i32
      %convert_element_type3A = arith.extui %ge3A_117 : i1 to i32
      %cond3A = arith.constant 0 : i32
      %cond3A_118 = arith.cmpi ne, %convert_element_type3A, %cond3A : i32
      scf.if %cond3A_118 {
        %sub3A_259 = arith.constant 1 : i32
        %sub3A_260 = arith.subi %add3A_116, %sub3A_259 : i32
        %mul3A_261 = arith.constant 80 : i32
        %mul3A_262 = arith.muli %sub3A_260, %mul3A_261 : i32
        %add3A_263 = arith.addi %mul3A_2, %mul3A_262 : i32
        %dma_wait3A_264 = arith.constant 0 : i32
        %dma_wait3A_265 = tpu.memref_slice %arg5[%add3A_263, %dma_wait3A_264] : memref<320000x128xf32, #tpu.memory_space<hbm>> -> memref<80x128xf32, #tpu.memory_space<hbm>>
        %dma_wait3A_266 = arith.constant 0 : i32
        %dma_wait3A_267 = tpu.memref_slice %arg5[%add3A_263, %dma_wait3A_266] : memref<320000x128xf32, #tpu.memory_space<hbm>> -> memref<80x128xf32, #tpu.memory_space<hbm>>
        tpu.wait_dma2 semaphore(%arg23 : memref<!tpu.dma_semaphore, #tpu.memory_space<semaphore_mem>>) src(%arg11 : memref<80x128xf32, #tpu.memory_space<vmem>>) dst(%dma_wait3A_267 : memref<80x128xf32, #tpu.memory_space<hbm>>)
        %dma_wait3A_268 = arith.constant 0 : i32
        %dma_wait3A_269 = tpu.memref_slice %arg6[%add3A_263, %dma_wait3A_268] : memref<320000x128xf32, #tpu.memory_space<hbm>> -> memref<80x128xf32, #tpu.memory_space<hbm>>
        %dma_wait3A_270 = arith.constant 0 : i32
        %dma_wait3A_271 = tpu.memref_slice %arg6[%add3A_263, %dma_wait3A_270] : memref<320000x128xf32, #tpu.memory_space<hbm>> -> memref<80x128xf32, #tpu.memory_space<hbm>>
        tpu.wait_dma2 semaphore(%arg26 : memref<!tpu.dma_semaphore, #tpu.memory_space<semaphore_mem>>) src(%arg14 : memref<80x128xf32, #tpu.memory_space<vmem>>) dst(%dma_wait3A_271 : memref<80x128xf32, #tpu.memory_space<hbm>>)
      } else {
      }
      %add3A_119 = arith.constant 2 : i32
      %add3A_120 = arith.addi %add3A_116, %add3A_119 : i32
      %dma_start3A_121 = arith.constant 0 : i32
      %dma_start3A_122 = tpu.memref_slice %arg7[%add3A_120, %dma_start3A_121] : memref<125x80xi32, #tpu.memory_space<vmem>> -> memref<1x80xi32, #tpu.memory_space<vmem>>
      %dma_start3A_123 = tpu.memref_squeeze %dma_start3A_122 : memref<1x80xi32, #tpu.memory_space<vmem>> -> memref<80xi32, #tpu.memory_space<vmem>>
      %dma_start3A_124 = arith.constant 0 : i32
      %dma_start3A_125 = arith.constant 0 : i32
      %dma_start3A_126 = tpu.memref_slice %arg4[%dma_start3A_124, %dma_start3A_125] : memref<10000x128xf32, #tpu.memory_space<hbm>> -> memref<10000x128xf32, #tpu.memory_space<hbm>>
      tpu.enqueue_indirect_dma source(%dma_start3A_126 : memref<10000x128xf32, #tpu.memory_space<hbm>>) target(%arg11 : memref<80x128xf32, #tpu.memory_space<vmem>>) offsets(%dma_start3A_123 : memref<80xi32, #tpu.memory_space<vmem>>) semaphore(%arg17 : memref<!tpu.dma_semaphore, #tpu.memory_space<semaphore_mem>>)
      %dma_start3A_127 = arith.constant 0 : i32
      %dma_start3A_128 = tpu.memref_slice %arg8[%add3A_120, %dma_start3A_127] : memref<125x80xi32, #tpu.memory_space<vmem>> -> memref<1x80xi32, #tpu.memory_space<vmem>>
      %dma_start3A_129 = tpu.memref_squeeze %dma_start3A_128 : memref<1x80xi32, #tpu.memory_space<vmem>> -> memref<80xi32, #tpu.memory_space<vmem>>
      %dma_start3A_130 = arith.constant 0 : i32
      %dma_start3A_131 = arith.constant 0 : i32
      %dma_start3A_132 = tpu.memref_slice %arg4[%dma_start3A_130, %dma_start3A_131] : memref<10000x128xf32, #tpu.memory_space<hbm>> -> memref<10000x128xf32, #tpu.memory_space<hbm>>
      tpu.enqueue_indirect_dma source(%dma_start3A_132 : memref<10000x128xf32, #tpu.memory_space<hbm>>) target(%arg14 : memref<80x128xf32, #tpu.memory_space<vmem>>) offsets(%dma_start3A_129 : memref<80xi32, #tpu.memory_space<vmem>>) semaphore(%arg20 : memref<!tpu.dma_semaphore, #tpu.memory_space<semaphore_mem>>)
      %dma_wait3A_133 = arith.constant 0 : i32
      %dma_wait3A_134 = tpu.memref_slice %arg7[%add3A_116, %dma_wait3A_133] : memref<125x80xi32, #tpu.memory_space<vmem>> -> memref<1x80xi32, #tpu.memory_space<vmem>>
      %dma_wait3A_135 = tpu.memref_squeeze %dma_wait3A_134 : memref<1x80xi32, #tpu.memory_space<vmem>> -> memref<80xi32, #tpu.memory_space<vmem>>
      %dma_wait3A_136 = arith.constant 0 : i32
      %dma_wait3A_137 = arith.constant 0 : i32
      %dma_wait3A_138 = tpu.memref_slice %arg4[%dma_wait3A_136, %dma_wait3A_137] : memref<10000x128xf32, #tpu.memory_space<hbm>> -> memref<10000x128xf32, #tpu.memory_space<hbm>>
      tpu.wait_indirect_dma semaphore(%arg15 : memref<!tpu.dma_semaphore, #tpu.memory_space<semaphore_mem>>) src(%dma_wait3A_138 : memref<10000x128xf32, #tpu.memory_space<hbm>>) dst(%arg9 : memref<80x128xf32, #tpu.memory_space<vmem>>)
      %dma_wait3A_139 = arith.constant 0 : i32
      %dma_wait3A_140 = tpu.memref_slice %arg8[%add3A_116, %dma_wait3A_139] : memref<125x80xi32, #tpu.memory_space<vmem>> -> memref<1x80xi32, #tpu.memory_space<vmem>>
      %dma_wait3A_141 = tpu.memref_squeeze %dma_wait3A_140 : memref<1x80xi32, #tpu.memory_space<vmem>> -> memref<80xi32, #tpu.memory_space<vmem>>
      %dma_wait3A_142 = arith.constant 0 : i32
      %dma_wait3A_143 = arith.constant 0 : i32
      %dma_wait3A_144 = tpu.memref_slice %arg4[%dma_wait3A_142, %dma_wait3A_143] : memref<10000x128xf32, #tpu.memory_space<hbm>> -> memref<10000x128xf32, #tpu.memory_space<hbm>>
      tpu.wait_indirect_dma semaphore(%arg18 : memref<!tpu.dma_semaphore, #tpu.memory_space<semaphore_mem>>) src(%dma_wait3A_144 : memref<10000x128xf32, #tpu.memory_space<hbm>>) dst(%arg12 : memref<80x128xf32, #tpu.memory_space<vmem>>)
      %mul3A_145 = arith.constant 80 : i32
      %mul3A_146 = arith.muli %add3A_116, %mul3A_145 : i32
      %add3A_147 = arith.addi %mul3A_2, %mul3A_146 : i32
      %dma_start3A_148 = arith.constant 0 : i32
      %dma_start3A_149 = tpu.memref_slice %arg5[%add3A_147, %dma_start3A_148] : memref<320000x128xf32, #tpu.memory_space<hbm>> -> memref<80x128xf32, #tpu.memory_space<hbm>>
      %dma_start3A_150 = arith.constant 0 : i32
      %dma_start3A_151 = tpu.memref_slice %arg5[%add3A_147, %dma_start3A_150] : memref<320000x128xf32, #tpu.memory_space<hbm>> -> memref<80x128xf32, #tpu.memory_space<hbm>>
      tpu.enqueue_dma source(%arg9 : memref<80x128xf32, #tpu.memory_space<vmem>>) target(%dma_start3A_151 : memref<80x128xf32, #tpu.memory_space<hbm>>) target_semaphore(%arg21 : memref<!tpu.dma_semaphore, #tpu.memory_space<semaphore_mem>>)
      %dma_start3A_152 = arith.constant 0 : i32
      %dma_start3A_153 = tpu.memref_slice %arg6[%add3A_147, %dma_start3A_152] : memref<320000x128xf32, #tpu.memory_space<hbm>> -> memref<80x128xf32, #tpu.memory_space<hbm>>
      %dma_start3A_154 = arith.constant 0 : i32
      %dma_start3A_155 = tpu.memref_slice %arg6[%add3A_147, %dma_start3A_154] : memref<320000x128xf32, #tpu.memory_space<hbm>> -> memref<80x128xf32, #tpu.memory_space<hbm>>
      tpu.enqueue_dma source(%arg12 : memref<80x128xf32, #tpu.memory_space<vmem>>) target(%dma_start3A_155 : memref<80x128xf32, #tpu.memory_space<hbm>>) target_semaphore(%arg24 : memref<!tpu.dma_semaphore, #tpu.memory_space<semaphore_mem>>)
      %add3A_156 = arith.constant 1 : i32
      %add3A_157 = arith.addi %mul3A_114, %add3A_156 : i32
      %sub3A = arith.constant 1 : i32
      %sub3A_158 = arith.subi %add3A_157, %sub3A : i32
      %mul3A_159 = arith.constant 80 : i32
      %mul3A_160 = arith.muli %sub3A_158, %mul3A_159 : i32
      %add3A_161 = arith.addi %mul3A_2, %mul3A_160 : i32
      %dma_wait3A_162 = arith.constant 0 : i32
      %dma_wait3A_163 = tpu.memref_slice %arg5[%add3A_161, %dma_wait3A_162] : memref<320000x128xf32, #tpu.memory_space<hbm>> -> memref<80x128xf32, #tpu.memory_space<hbm>>
      %dma_wait3A_164 = arith.constant 0 : i32
      %dma_wait3A_165 = tpu.memref_slice %arg5[%add3A_161, %dma_wait3A_164] : memref<320000x128xf32, #tpu.memory_space<hbm>> -> memref<80x128xf32, #tpu.memory_space<hbm>>
      tpu.wait_dma2 semaphore(%arg21 : memref<!tpu.dma_semaphore, #tpu.memory_space<semaphore_mem>>) src(%arg9 : memref<80x128xf32, #tpu.memory_space<vmem>>) dst(%dma_wait3A_165 : memref<80x128xf32, #tpu.memory_space<hbm>>)
      %dma_wait3A_166 = arith.constant 0 : i32
      %dma_wait3A_167 = tpu.memref_slice %arg6[%add3A_161, %dma_wait3A_166] : memref<320000x128xf32, #tpu.memory_space<hbm>> -> memref<80x128xf32, #tpu.memory_space<hbm>>
      %dma_wait3A_168 = arith.constant 0 : i32
      %dma_wait3A_169 = tpu.memref_slice %arg6[%add3A_161, %dma_wait3A_168] : memref<320000x128xf32, #tpu.memory_space<hbm>> -> memref<80x128xf32, #tpu.memory_space<hbm>>
      tpu.wait_dma2 semaphore(%arg24 : memref<!tpu.dma_semaphore, #tpu.memory_space<semaphore_mem>>) src(%arg12 : memref<80x128xf32, #tpu.memory_space<vmem>>) dst(%dma_wait3A_169 : memref<80x128xf32, #tpu.memory_space<hbm>>)
      %add3A_170 = arith.constant 2 : i32
      %add3A_171 = arith.addi %add3A_157, %add3A_170 : i32
      %dma_start3A_172 = arith.constant 0 : i32
      %dma_start3A_173 = tpu.memref_slice %arg7[%add3A_171, %dma_start3A_172] : memref<125x80xi32, #tpu.memory_space<vmem>> -> memref<1x80xi32, #tpu.memory_space<vmem>>
      %dma_start3A_174 = tpu.memref_squeeze %dma_start3A_173 : memref<1x80xi32, #tpu.memory_space<vmem>> -> memref<80xi32, #tpu.memory_space<vmem>>
      %dma_start3A_175 = arith.constant 0 : i32
      %dma_start3A_176 = arith.constant 0 : i32
      %dma_start3A_177 = tpu.memref_slice %arg4[%dma_start3A_175, %dma_start3A_176] : memref<10000x128xf32, #tpu.memory_space<hbm>> -> memref<10000x128xf32, #tpu.memory_space<hbm>>
      tpu.enqueue_indirect_dma source(%dma_start3A_177 : memref<10000x128xf32, #tpu.memory_space<hbm>>) target(%arg9 : memref<80x128xf32, #tpu.memory_space<vmem>>) offsets(%dma_start3A_174 : memref<80xi32, #tpu.memory_space<vmem>>) semaphore(%arg15 : memref<!tpu.dma_semaphore, #tpu.memory_space<semaphore_mem>>)
      %dma_start3A_178 = arith.constant 0 : i32
      %dma_start3A_179 = tpu.memref_slice %arg8[%add3A_171, %dma_start3A_178] : memref<125x80xi32, #tpu.memory_space<vmem>> -> memref<1x80xi32, #tpu.memory_space<vmem>>
      %dma_start3A_180 = tpu.memref_squeeze %dma_start3A_179 : memref<1x80xi32, #tpu.memory_space<vmem>> -> memref<80xi32, #tpu.memory_space<vmem>>
      %dma_start3A_181 = arith.constant 0 : i32
      %dma_start3A_182 = arith.constant 0 : i32
      %dma_start3A_183 = tpu.memref_slice %arg4[%dma_start3A_181, %dma_start3A_182] : memref<10000x128xf32, #tpu.memory_space<hbm>> -> memref<10000x128xf32, #tpu.memory_space<hbm>>
      tpu.enqueue_indirect_dma source(%dma_start3A_183 : memref<10000x128xf32, #tpu.memory_space<hbm>>) target(%arg12 : memref<80x128xf32, #tpu.memory_space<vmem>>) offsets(%dma_start3A_180 : memref<80xi32, #tpu.memory_space<vmem>>) semaphore(%arg18 : memref<!tpu.dma_semaphore, #tpu.memory_space<semaphore_mem>>)
      %dma_wait3A_184 = arith.constant 0 : i32
      %dma_wait3A_185 = tpu.memref_slice %arg7[%add3A_157, %dma_wait3A_184] : memref<125x80xi32, #tpu.memory_space<vmem>> -> memref<1x80xi32, #tpu.memory_space<vmem>>
      %dma_wait3A_186 = tpu.memref_squeeze %dma_wait3A_185 : memref<1x80xi32, #tpu.memory_space<vmem>> -> memref<80xi32, #tpu.memory_space<vmem>>
      %dma_wait3A_187 = arith.constant 0 : i32
      %dma_wait3A_188 = arith.constant 0 : i32
      %dma_wait3A_189 = tpu.memref_slice %arg4[%dma_wait3A_187, %dma_wait3A_188] : memref<10000x128xf32, #tpu.memory_space<hbm>> -> memref<10000x128xf32, #tpu.memory_space<hbm>>
      tpu.wait_indirect_dma semaphore(%arg16 : memref<!tpu.dma_semaphore, #tpu.memory_space<semaphore_mem>>) src(%dma_wait3A_189 : memref<10000x128xf32, #tpu.memory_space<hbm>>) dst(%arg10 : memref<80x128xf32, #tpu.memory_space<vmem>>)
      %dma_wait3A_190 = arith.constant 0 : i32
      %dma_wait3A_191 = tpu.memref_slice %arg8[%add3A_157, %dma_wait3A_190] : memref<125x80xi32, #tpu.memory_space<vmem>> -> memref<1x80xi32, #tpu.memory_space<vmem>>
      %dma_wait3A_192 = tpu.memref_squeeze %dma_wait3A_191 : memref<1x80xi32, #tpu.memory_space<vmem>> -> memref<80xi32, #tpu.memory_space<vmem>>
      %dma_wait3A_193 = arith.constant 0 : i32
      %dma_wait3A_194 = arith.constant 0 : i32
      %dma_wait3A_195 = tpu.memref_slice %arg4[%dma_wait3A_193, %dma_wait3A_194] : memref<10000x128xf32, #tpu.memory_space<hbm>> -> memref<10000x128xf32, #tpu.memory_space<hbm>>
      tpu.wait_indirect_dma semaphore(%arg19 : memref<!tpu.dma_semaphore, #tpu.memory_space<semaphore_mem>>) src(%dma_wait3A_195 : memref<10000x128xf32, #tpu.memory_space<hbm>>) dst(%arg13 : memref<80x128xf32, #tpu.memory_space<vmem>>)
      %mul3A_196 = arith.constant 80 : i32
      %mul3A_197 = arith.muli %add3A_157, %mul3A_196 : i32
      %add3A_198 = arith.addi %mul3A_2, %mul3A_197 : i32
      %dma_start3A_199 = arith.constant 0 : i32
      %dma_start3A_200 = tpu.memref_slice %arg5[%add3A_198, %dma_start3A_199] : memref<320000x128xf32, #tpu.memory_space<hbm>> -> memref<80x128xf32, #tpu.memory_space<hbm>>
      %dma_start3A_201 = arith.constant 0 : i32
      %dma_start3A_202 = tpu.memref_slice %arg5[%add3A_198, %dma_start3A_201] : memref<320000x128xf32, #tpu.memory_space<hbm>> -> memref<80x128xf32, #tpu.memory_space<hbm>>
      tpu.enqueue_dma source(%arg10 : memref<80x128xf32, #tpu.memory_space<vmem>>) target(%dma_start3A_202 : memref<80x128xf32, #tpu.memory_space<hbm>>) target_semaphore(%arg22 : memref<!tpu.dma_semaphore, #tpu.memory_space<semaphore_mem>>)
      %dma_start3A_203 = arith.constant 0 : i32
      %dma_start3A_204 = tpu.memref_slice %arg6[%add3A_198, %dma_start3A_203] : memref<320000x128xf32, #tpu.memory_space<hbm>> -> memref<80x128xf32, #tpu.memory_space<hbm>>
      %dma_start3A_205 = arith.constant 0 : i32
      %dma_start3A_206 = tpu.memref_slice %arg6[%add3A_198, %dma_start3A_205] : memref<320000x128xf32, #tpu.memory_space<hbm>> -> memref<80x128xf32, #tpu.memory_space<hbm>>
      tpu.enqueue_dma source(%arg13 : memref<80x128xf32, #tpu.memory_space<vmem>>) target(%dma_start3A_206 : memref<80x128xf32, #tpu.memory_space<hbm>>) target_semaphore(%arg25 : memref<!tpu.dma_semaphore, #tpu.memory_space<semaphore_mem>>)
      %add3A_207 = arith.constant 2 : i32
      %add3A_208 = arith.addi %mul3A_114, %add3A_207 : i32
      %sub3A_209 = arith.constant 1 : i32
      %sub3A_210 = arith.subi %add3A_208, %sub3A_209 : i32
      %mul3A_211 = arith.constant 80 : i32
      %mul3A_212 = arith.muli %sub3A_210, %mul3A_211 : i32
      %add3A_213 = arith.addi %mul3A_2, %mul3A_212 : i32
      %dma_wait3A_214 = arith.constant 0 : i32
      %dma_wait3A_215 = tpu.memref_slice %arg5[%add3A_213, %dma_wait3A_214] : memref<320000x128xf32, #tpu.memory_space<hbm>> -> memref<80x128xf32, #tpu.memory_space<hbm>>
      %dma_wait3A_216 = arith.constant 0 : i32
      %dma_wait3A_217 = tpu.memref_slice %arg5[%add3A_213, %dma_wait3A_216] : memref<320000x128xf32, #tpu.memory_space<hbm>> -> memref<80x128xf32, #tpu.memory_space<hbm>>
      tpu.wait_dma2 semaphore(%arg22 : memref<!tpu.dma_semaphore, #tpu.memory_space<semaphore_mem>>) src(%arg10 : memref<80x128xf32, #tpu.memory_space<vmem>>) dst(%dma_wait3A_217 : memref<80x128xf32, #tpu.memory_space<hbm>>)
      %dma_wait3A_218 = arith.constant 0 : i32
      %dma_wait3A_219 = tpu.memref_slice %arg6[%add3A_213, %dma_wait3A_218] : memref<320000x128xf32, #tpu.memory_space<hbm>> -> memref<80x128xf32, #tpu.memory_space<hbm>>
      %dma_wait3A_220 = arith.constant 0 : i32
      %dma_wait3A_221 = tpu.memref_slice %arg6[%add3A_213, %dma_wait3A_220] : memref<320000x128xf32, #tpu.memory_space<hbm>> -> memref<80x128xf32, #tpu.memory_space<hbm>>
      tpu.wait_dma2 semaphore(%arg25 : memref<!tpu.dma_semaphore, #tpu.memory_space<semaphore_mem>>) src(%arg13 : memref<80x128xf32, #tpu.memory_space<vmem>>) dst(%dma_wait3A_221 : memref<80x128xf32, #tpu.memory_space<hbm>>)
      %add3A_222 = arith.constant 2 : i32
      %add3A_223 = arith.addi %add3A_208, %add3A_222 : i32
      %dma_start3A_224 = arith.constant 0 : i32
      %dma_start3A_225 = tpu.memref_slice %arg7[%add3A_223, %dma_start3A_224] : memref<125x80xi32, #tpu.memory_space<vmem>> -> memref<1x80xi32, #tpu.memory_space<vmem>>
      %dma_start3A_226 = tpu.memref_squeeze %dma_start3A_225 : memref<1x80xi32, #tpu.memory_space<vmem>> -> memref<80xi32, #tpu.memory_space<vmem>>
      %dma_start3A_227 = arith.constant 0 : i32
      %dma_start3A_228 = arith.constant 0 : i32
      %dma_start3A_229 = tpu.memref_slice %arg4[%dma_start3A_227, %dma_start3A_228] : memref<10000x128xf32, #tpu.memory_space<hbm>> -> memref<10000x128xf32, #tpu.memory_space<hbm>>
      tpu.enqueue_indirect_dma source(%dma_start3A_229 : memref<10000x128xf32, #tpu.memory_space<hbm>>) target(%arg10 : memref<80x128xf32, #tpu.memory_space<vmem>>) offsets(%dma_start3A_226 : memref<80xi32, #tpu.memory_space<vmem>>) semaphore(%arg16 : memref<!tpu.dma_semaphore, #tpu.memory_space<semaphore_mem>>)
      %dma_start3A_230 = arith.constant 0 : i32
      %dma_start3A_231 = tpu.memref_slice %arg8[%add3A_223, %dma_start3A_230] : memref<125x80xi32, #tpu.memory_space<vmem>> -> memref<1x80xi32, #tpu.memory_space<vmem>>
      %dma_start3A_232 = tpu.memref_squeeze %dma_start3A_231 : memref<1x80xi32, #tpu.memory_space<vmem>> -> memref<80xi32, #tpu.memory_space<vmem>>
      %dma_start3A_233 = arith.constant 0 : i32
      %dma_start3A_234 = arith.constant 0 : i32
      %dma_start3A_235 = tpu.memref_slice %arg4[%dma_start3A_233, %dma_start3A_234] : memref<10000x128xf32, #tpu.memory_space<hbm>> -> memref<10000x128xf32, #tpu.memory_space<hbm>>
      tpu.enqueue_indirect_dma source(%dma_start3A_235 : memref<10000x128xf32, #tpu.memory_space<hbm>>) target(%arg13 : memref<80x128xf32, #tpu.memory_space<vmem>>) offsets(%dma_start3A_232 : memref<80xi32, #tpu.memory_space<vmem>>) semaphore(%arg19 : memref<!tpu.dma_semaphore, #tpu.memory_space<semaphore_mem>>)
      %dma_wait3A_236 = arith.constant 0 : i32
      %dma_wait3A_237 = tpu.memref_slice %arg7[%add3A_208, %dma_wait3A_236] : memref<125x80xi32, #tpu.memory_space<vmem>> -> memref<1x80xi32, #tpu.memory_space<vmem>>
      %dma_wait3A_238 = tpu.memref_squeeze %dma_wait3A_237 : memref<1x80xi32, #tpu.memory_space<vmem>> -> memref<80xi32, #tpu.memory_space<vmem>>
      %dma_wait3A_239 = arith.constant 0 : i32
      %dma_wait3A_240 = arith.constant 0 : i32
      %dma_wait3A_241 = tpu.memref_slice %arg4[%dma_wait3A_239, %dma_wait3A_240] : memref<10000x128xf32, #tpu.memory_space<hbm>> -> memref<10000x128xf32, #tpu.memory_space<hbm>>
      tpu.wait_indirect_dma semaphore(%arg17 : memref<!tpu.dma_semaphore, #tpu.memory_space<semaphore_mem>>) src(%dma_wait3A_241 : memref<10000x128xf32, #tpu.memory_space<hbm>>) dst(%arg11 : memref<80x128xf32, #tpu.memory_space<vmem>>)
      %dma_wait3A_242 = arith.constant 0 : i32
      %dma_wait3A_243 = tpu.memref_slice %arg8[%add3A_208, %dma_wait3A_242] : memref<125x80xi32, #tpu.memory_space<vmem>> -> memref<1x80xi32, #tpu.memory_space<vmem>>
      %dma_wait3A_244 = tpu.memref_squeeze %dma_wait3A_243 : memref<1x80xi32, #tpu.memory_space<vmem>> -> memref<80xi32, #tpu.memory_space<vmem>>
      %dma_wait3A_245 = arith.constant 0 : i32
      %dma_wait3A_246 = arith.constant 0 : i32
      %dma_wait3A_247 = tpu.memref_slice %arg4[%dma_wait3A_245, %dma_wait3A_246] : memref<10000x128xf32, #tpu.memory_space<hbm>> -> memref<10000x128xf32, #tpu.memory_space<hbm>>
      tpu.wait_indirect_dma semaphore(%arg20 : memref<!tpu.dma_semaphore, #tpu.memory_space<semaphore_mem>>) src(%dma_wait3A_247 : memref<10000x128xf32, #tpu.memory_space<hbm>>) dst(%arg14 : memref<80x128xf32, #tpu.memory_space<vmem>>)
      %mul3A_248 = arith.constant 80 : i32
      %mul3A_249 = arith.muli %add3A_208, %mul3A_248 : i32
      %add3A_250 = arith.addi %mul3A_2, %mul3A_249 : i32
      %dma_start3A_251 = arith.constant 0 : i32
      %dma_start3A_252 = tpu.memref_slice %arg5[%add3A_250, %dma_start3A_251] : memref<320000x128xf32, #tpu.memory_space<hbm>> -> memref<80x128xf32, #tpu.memory_space<hbm>>
      %dma_start3A_253 = arith.constant 0 : i32
      %dma_start3A_254 = tpu.memref_slice %arg5[%add3A_250, %dma_start3A_253] : memref<320000x128xf32, #tpu.memory_space<hbm>> -> memref<80x128xf32, #tpu.memory_space<hbm>>
      tpu.enqueue_dma source(%arg11 : memref<80x128xf32, #tpu.memory_space<vmem>>) target(%dma_start3A_254 : memref<80x128xf32, #tpu.memory_space<hbm>>) target_semaphore(%arg23 : memref<!tpu.dma_semaphore, #tpu.memory_space<semaphore_mem>>)
      %dma_start3A_255 = arith.constant 0 : i32
      %dma_start3A_256 = tpu.memref_slice %arg6[%add3A_250, %dma_start3A_255] : memref<320000x128xf32, #tpu.memory_space<hbm>> -> memref<80x128xf32, #tpu.memory_space<hbm>>
      %dma_start3A_257 = arith.constant 0 : i32
      %dma_start3A_258 = tpu.memref_slice %arg6[%add3A_250, %dma_start3A_257] : memref<320000x128xf32, #tpu.memory_space<hbm>> -> memref<80x128xf32, #tpu.memory_space<hbm>>
      tpu.enqueue_dma source(%arg14 : memref<80x128xf32, #tpu.memory_space<vmem>>) target(%dma_start3A_258 : memref<80x128xf32, #tpu.memory_space<hbm>>) target_semaphore(%arg26 : memref<!tpu.dma_semaphore, #tpu.memory_space<semaphore_mem>>)
    }
    %scan3A_34 = arith.constant 41 : i32
    %dma_wait3A = arith.constant 123 : i32
    %dma_wait3A_35 = arith.constant 0 : i32
    %dma_wait3A_36 = tpu.memref_slice %arg7[%dma_wait3A, %dma_wait3A_35] : memref<125x80xi32, #tpu.memory_space<vmem>> -> memref<1x80xi32, #tpu.memory_space<vmem>>
    %dma_wait3A_37 = tpu.memref_squeeze %dma_wait3A_36 : memref<1x80xi32, #tpu.memory_space<vmem>> -> memref<80xi32, #tpu.memory_space<vmem>>
    %dma_wait3A_38 = arith.constant 0 : i32
    %dma_wait3A_39 = arith.constant 0 : i32
    %dma_wait3A_40 = tpu.memref_slice %arg4[%dma_wait3A_38, %dma_wait3A_39] : memref<10000x128xf32, #tpu.memory_space<hbm>> -> memref<10000x128xf32, #tpu.memory_space<hbm>>
    tpu.wait_indirect_dma semaphore(%arg15 : memref<!tpu.dma_semaphore, #tpu.memory_space<semaphore_mem>>) src(%dma_wait3A_40 : memref<10000x128xf32, #tpu.memory_space<hbm>>) dst(%arg9 : memref<80x128xf32, #tpu.memory_space<vmem>>)
    %dma_wait3A_41 = arith.constant 123 : i32
    %dma_wait3A_42 = arith.constant 0 : i32
    %dma_wait3A_43 = tpu.memref_slice %arg8[%dma_wait3A_41, %dma_wait3A_42] : memref<125x80xi32, #tpu.memory_space<vmem>> -> memref<1x80xi32, #tpu.memory_space<vmem>>
    %dma_wait3A_44 = tpu.memref_squeeze %dma_wait3A_43 : memref<1x80xi32, #tpu.memory_space<vmem>> -> memref<80xi32, #tpu.memory_space<vmem>>
    %dma_wait3A_45 = arith.constant 0 : i32
    %dma_wait3A_46 = arith.constant 0 : i32
    %dma_wait3A_47 = tpu.memref_slice %arg4[%dma_wait3A_45, %dma_wait3A_46] : memref<10000x128xf32, #tpu.memory_space<hbm>> -> memref<10000x128xf32, #tpu.memory_space<hbm>>
    tpu.wait_indirect_dma semaphore(%arg18 : memref<!tpu.dma_semaphore, #tpu.memory_space<semaphore_mem>>) src(%dma_wait3A_47 : memref<10000x128xf32, #tpu.memory_space<hbm>>) dst(%arg12 : memref<80x128xf32, #tpu.memory_space<vmem>>)
    %add3A_48 = arith.constant 9840 : i32
    %add3A_49 = arith.addi %mul3A_2, %add3A_48 : i32
    %dma_start3A_50 = arith.constant 0 : i32
    %dma_start3A_51 = tpu.memref_slice %arg5[%add3A_49, %dma_start3A_50] : memref<320000x128xf32, #tpu.memory_space<hbm>> -> memref<80x128xf32, #tpu.memory_space<hbm>>
    %dma_start3A_52 = arith.constant 0 : i32
    %dma_start3A_53 = tpu.memref_slice %arg5[%add3A_49, %dma_start3A_52] : memref<320000x128xf32, #tpu.memory_space<hbm>> -> memref<80x128xf32, #tpu.memory_space<hbm>>
    tpu.enqueue_dma source(%arg9 : memref<80x128xf32, #tpu.memory_space<vmem>>) target(%dma_start3A_53 : memref<80x128xf32, #tpu.memory_space<hbm>>) target_semaphore(%arg21 : memref<!tpu.dma_semaphore, #tpu.memory_space<semaphore_mem>>)
    %dma_start3A_54 = arith.constant 0 : i32
    %dma_start3A_55 = tpu.memref_slice %arg6[%add3A_49, %dma_start3A_54] : memref<320000x128xf32, #tpu.memory_space<hbm>> -> memref<80x128xf32, #tpu.memory_space<hbm>>
    %dma_start3A_56 = arith.constant 0 : i32
    %dma_start3A_57 = tpu.memref_slice %arg6[%add3A_49, %dma_start3A_56] : memref<320000x128xf32, #tpu.memory_space<hbm>> -> memref<80x128xf32, #tpu.memory_space<hbm>>
    tpu.enqueue_dma source(%arg12 : memref<80x128xf32, #tpu.memory_space<vmem>>) target(%dma_start3A_57 : memref<80x128xf32, #tpu.memory_space<hbm>>) target_semaphore(%arg24 : memref<!tpu.dma_semaphore, #tpu.memory_space<semaphore_mem>>)
    %dma_wait3A_58 = arith.constant 124 : i32
    %dma_wait3A_59 = arith.constant 0 : i32
    %dma_wait3A_60 = tpu.memref_slice %arg7[%dma_wait3A_58, %dma_wait3A_59] : memref<125x80xi32, #tpu.memory_space<vmem>> -> memref<1x80xi32, #tpu.memory_space<vmem>>
    %dma_wait3A_61 = tpu.memref_squeeze %dma_wait3A_60 : memref<1x80xi32, #tpu.memory_space<vmem>> -> memref<80xi32, #tpu.memory_space<vmem>>
    %dma_wait3A_62 = arith.constant 0 : i32
    %dma_wait3A_63 = arith.constant 0 : i32
    %dma_wait3A_64 = tpu.memref_slice %arg4[%dma_wait3A_62, %dma_wait3A_63] : memref<10000x128xf32, #tpu.memory_space<hbm>> -> memref<10000x128xf32, #tpu.memory_space<hbm>>
    tpu.wait_indirect_dma semaphore(%arg16 : memref<!tpu.dma_semaphore, #tpu.memory_space<semaphore_mem>>) src(%dma_wait3A_64 : memref<10000x128xf32, #tpu.memory_space<hbm>>) dst(%arg10 : memref<80x128xf32, #tpu.memory_space<vmem>>)
    %dma_wait3A_65 = arith.constant 124 : i32
    %dma_wait3A_66 = arith.constant 0 : i32
    %dma_wait3A_67 = tpu.memref_slice %arg8[%dma_wait3A_65, %dma_wait3A_66] : memref<125x80xi32, #tpu.memory_space<vmem>> -> memref<1x80xi32, #tpu.memory_space<vmem>>
    %dma_wait3A_68 = tpu.memref_squeeze %dma_wait3A_67 : memref<1x80xi32, #tpu.memory_space<vmem>> -> memref<80xi32, #tpu.memory_space<vmem>>
    %dma_wait3A_69 = arith.constant 0 : i32
    %dma_wait3A_70 = arith.constant 0 : i32
    %dma_wait3A_71 = tpu.memref_slice %arg4[%dma_wait3A_69, %dma_wait3A_70] : memref<10000x128xf32, #tpu.memory_space<hbm>> -> memref<10000x128xf32, #tpu.memory_space<hbm>>
    tpu.wait_indirect_dma semaphore(%arg19 : memref<!tpu.dma_semaphore, #tpu.memory_space<semaphore_mem>>) src(%dma_wait3A_71 : memref<10000x128xf32, #tpu.memory_space<hbm>>) dst(%arg13 : memref<80x128xf32, #tpu.memory_space<vmem>>)
    %add3A_72 = arith.constant 9920 : i32
    %add3A_73 = arith.addi %mul3A_2, %add3A_72 : i32
    %dma_start3A_74 = arith.constant 0 : i32
    %dma_start3A_75 = tpu.memref_slice %arg5[%add3A_73, %dma_start3A_74] : memref<320000x128xf32, #tpu.memory_space<hbm>> -> memref<80x128xf32, #tpu.memory_space<hbm>>
    %dma_start3A_76 = arith.constant 0 : i32
    %dma_start3A_77 = tpu.memref_slice %arg5[%add3A_73, %dma_start3A_76] : memref<320000x128xf32, #tpu.memory_space<hbm>> -> memref<80x128xf32, #tpu.memory_space<hbm>>
    tpu.enqueue_dma source(%arg10 : memref<80x128xf32, #tpu.memory_space<vmem>>) target(%dma_start3A_77 : memref<80x128xf32, #tpu.memory_space<hbm>>) target_semaphore(%arg22 : memref<!tpu.dma_semaphore, #tpu.memory_space<semaphore_mem>>)
    %dma_start3A_78 = arith.constant 0 : i32
    %dma_start3A_79 = tpu.memref_slice %arg6[%add3A_73, %dma_start3A_78] : memref<320000x128xf32, #tpu.memory_space<hbm>> -> memref<80x128xf32, #tpu.memory_space<hbm>>
    %dma_start3A_80 = arith.constant 0 : i32
    %dma_start3A_81 = tpu.memref_slice %arg6[%add3A_73, %dma_start3A_80] : memref<320000x128xf32, #tpu.memory_space<hbm>> -> memref<80x128xf32, #tpu.memory_space<hbm>>
    tpu.enqueue_dma source(%arg13 : memref<80x128xf32, #tpu.memory_space<vmem>>) target(%dma_start3A_81 : memref<80x128xf32, #tpu.memory_space<hbm>>) target_semaphore(%arg25 : memref<!tpu.dma_semaphore, #tpu.memory_space<semaphore_mem>>)
    %add3A_82 = arith.constant 9760 : i32
    %add3A_83 = arith.addi %mul3A_2, %add3A_82 : i32
    %dma_wait3A_84 = arith.constant 0 : i32
    %dma_wait3A_85 = tpu.memref_slice %arg5[%add3A_83, %dma_wait3A_84] : memref<320000x128xf32, #tpu.memory_space<hbm>> -> memref<80x128xf32, #tpu.memory_space<hbm>>
    %dma_wait3A_86 = arith.constant 0 : i32
    %dma_wait3A_87 = tpu.memref_slice %arg5[%add3A_83, %dma_wait3A_86] : memref<320000x128xf32, #tpu.memory_space<hbm>> -> memref<80x128xf32, #tpu.memory_space<hbm>>
    tpu.wait_dma2 semaphore(%arg23 : memref<!tpu.dma_semaphore, #tpu.memory_space<semaphore_mem>>) src(%arg11 : memref<80x128xf32, #tpu.memory_space<vmem>>) dst(%dma_wait3A_87 : memref<80x128xf32, #tpu.memory_space<hbm>>)
    %dma_wait3A_88 = arith.constant 0 : i32
    %dma_wait3A_89 = tpu.memref_slice %arg6[%add3A_83, %dma_wait3A_88] : memref<320000x128xf32, #tpu.memory_space<hbm>> -> memref<80x128xf32, #tpu.memory_space<hbm>>
    %dma_wait3A_90 = arith.constant 0 : i32
    %dma_wait3A_91 = tpu.memref_slice %arg6[%add3A_83, %dma_wait3A_90] : memref<320000x128xf32, #tpu.memory_space<hbm>> -> memref<80x128xf32, #tpu.memory_space<hbm>>
    tpu.wait_dma2 semaphore(%arg26 : memref<!tpu.dma_semaphore, #tpu.memory_space<semaphore_mem>>) src(%arg14 : memref<80x128xf32, #tpu.memory_space<vmem>>) dst(%dma_wait3A_91 : memref<80x128xf32, #tpu.memory_space<hbm>>)
    %add3A_92 = arith.constant 9840 : i32
    %add3A_93 = arith.addi %mul3A_2, %add3A_92 : i32
    %dma_wait3A_94 = arith.constant 0 : i32
    %dma_wait3A_95 = tpu.memref_slice %arg5[%add3A_93, %dma_wait3A_94] : memref<320000x128xf32, #tpu.memory_space<hbm>> -> memref<80x128xf32, #tpu.memory_space<hbm>>
    %dma_wait3A_96 = arith.constant 0 : i32
    %dma_wait3A_97 = tpu.memref_slice %arg5[%add3A_93, %dma_wait3A_96] : memref<320000x128xf32, #tpu.memory_space<hbm>> -> memref<80x128xf32, #tpu.memory_space<hbm>>
    tpu.wait_dma2 semaphore(%arg21 : memref<!tpu.dma_semaphore, #tpu.memory_space<semaphore_mem>>) src(%arg9 : memref<80x128xf32, #tpu.memory_space<vmem>>) dst(%dma_wait3A_97 : memref<80x128xf32, #tpu.memory_space<hbm>>)
    %dma_wait3A_98 = arith.constant 0 : i32
    %dma_wait3A_99 = tpu.memref_slice %arg6[%add3A_93, %dma_wait3A_98] : memref<320000x128xf32, #tpu.memory_space<hbm>> -> memref<80x128xf32, #tpu.memory_space<hbm>>
    %dma_wait3A_100 = arith.constant 0 : i32
    %dma_wait3A_101 = tpu.memref_slice %arg6[%add3A_93, %dma_wait3A_100] : memref<320000x128xf32, #tpu.memory_space<hbm>> -> memref<80x128xf32, #tpu.memory_space<hbm>>
    tpu.wait_dma2 semaphore(%arg24 : memref<!tpu.dma_semaphore, #tpu.memory_space<semaphore_mem>>) src(%arg12 : memref<80x128xf32, #tpu.memory_space<vmem>>) dst(%dma_wait3A_101 : memref<80x128xf32, #tpu.memory_space<hbm>>)
    %add3A_102 = arith.constant 9920 : i32
    %add3A_103 = arith.addi %mul3A_2, %add3A_102 : i32
    %dma_wait3A_104 = arith.constant 0 : i32
    %dma_wait3A_105 = tpu.memref_slice %arg5[%add3A_103, %dma_wait3A_104] : memref<320000x128xf32, #tpu.memory_space<hbm>> -> memref<80x128xf32, #tpu.memory_space<hbm>>
    %dma_wait3A_106 = arith.constant 0 : i32
    %dma_wait3A_107 = tpu.memref_slice %arg5[%add3A_103, %dma_wait3A_106] : memref<320000x128xf32, #tpu.memory_space<hbm>> -> memref<80x128xf32, #tpu.memory_space<hbm>>
    tpu.wait_dma2 semaphore(%arg22 : memref<!tpu.dma_semaphore, #tpu.memory_space<semaphore_mem>>) src(%arg10 : memref<80x128xf32, #tpu.memory_space<vmem>>) dst(%dma_wait3A_107 : memref<80x128xf32, #tpu.memory_space<hbm>>)
    %dma_wait3A_108 = arith.constant 0 : i32
    %dma_wait3A_109 = tpu.memref_slice %arg6[%add3A_103, %dma_wait3A_108] : memref<320000x128xf32, #tpu.memory_space<hbm>> -> memref<80x128xf32, #tpu.memory_space<hbm>>
    %dma_wait3A_110 = arith.constant 0 : i32
    %dma_wait3A_111 = tpu.memref_slice %arg6[%add3A_103, %dma_wait3A_110] : memref<320000x128xf32, #tpu.memory_space<hbm>> -> memref<80x128xf32, #tpu.memory_space<hbm>>
    tpu.wait_dma2 semaphore(%arg25 : memref<!tpu.dma_semaphore, #tpu.memory_space<semaphore_mem>>) src(%arg13 : memref<80x128xf32, #tpu.memory_space<vmem>>) dst(%dma_wait3A_111 : memref<80x128xf32, #tpu.memory_space<hbm>>)
    return
  }
}

#map = affine_map<(d0, d1) -> (0, 0, 0)>
#map1 = affine_map<(d0, d1) -> (0, 0)>
module attributes {stable_mosaic.version = 14 : i64} {
  func.func @_scatter_body(%arg0: i32, %arg1: i32, %arg2: memref<32x125x80xi32, #tpu.memory_space<hbm>>, %arg3: memref<320000x128xf32, #tpu.memory_space<hbm>>, %arg4: memref<2x5008x128xf32, #tpu.memory_space<hbm>>, %arg5: memref<125x80xi32, #tpu.memory_space<vmem>>, %arg6: memref<80x128xf32, #tpu.memory_space<vmem>>, %arg7: memref<80x128xf32, #tpu.memory_space<vmem>>, %arg8: memref<80x128xf32, #tpu.memory_space<vmem>>, %arg9: memref<!tpu.dma_semaphore, #tpu.memory_space<semaphore_mem>>, %arg10: memref<!tpu.dma_semaphore, #tpu.memory_space<semaphore_mem>>, %arg11: memref<!tpu.dma_semaphore, #tpu.memory_space<semaphore_mem>>, %arg12: memref<!tpu.dma_semaphore, #tpu.memory_space<semaphore_mem>>, %arg13: memref<!tpu.dma_semaphore, #tpu.memory_space<semaphore_mem>>, %arg14: memref<!tpu.dma_semaphore, #tpu.memory_space<semaphore_mem>>, %arg15: memref<328x128xf32, #tpu.memory_space<vmem>>, %arg16: memref<5008x128xf32, #tpu.memory_space<vmem_shared>>) attributes {dimension_semantics = [#tpu.dimension_semantics<core_parallel>, #tpu.dimension_semantics<subcore_parallel>], iteration_bounds = array<i64: 2, 16>, scalar_prefetch = 0 : i64, scratch_operands = 12 : i64, tpu.core_type = #tpu.core_type<sc_vector_subcore>, window_params = [{transform_indices = #map}, {transform_indices = #map1}, {transform_indices = #map}]} {
    %mul3A = arith.constant 160000 : i32
    %mul3A_0 = arith.muli %arg0, %mul3A : i32
    %mul3A_1 = arith.constant 10000 : i32
    %mul3A_2 = arith.muli %arg1, %mul3A_1 : i32
    %add3A = arith.addi %mul3A_0, %mul3A_2 : i32
    %mul3A_3 = arith.constant 16 : i32
    %mul3A_4 = arith.muli %arg0, %mul3A_3 : i32
    %add3A_5 = arith.addi %mul3A_4, %arg1 : i32
    "tpu.region"() ({
      %run_scoped3A = tpu.sem_alloc : memref<!tpu.dma_semaphore, #tpu.memory_space<semaphore_mem>>
      %dma_start3A_97 = arith.constant 0 : i32
      %dma_start3A_98 = arith.constant 0 : i32
      %dma_start3A_99 = tpu.memref_slice %arg2[%add3A_5, %dma_start3A_97, %dma_start3A_98] : memref<32x125x80xi32, #tpu.memory_space<hbm>> -> memref<1x125x80xi32, #tpu.memory_space<hbm>>
      %dma_start3A_100 = tpu.memref_squeeze %dma_start3A_99 : memref<1x125x80xi32, #tpu.memory_space<hbm>> -> memref<125x80xi32, #tpu.memory_space<hbm>>
      %dma_start3A_101 = arith.constant 0 : i32
      %dma_start3A_102 = arith.constant 0 : i32
      %dma_start3A_103 = tpu.memref_slice %arg2[%add3A_5, %dma_start3A_101, %dma_start3A_102] : memref<32x125x80xi32, #tpu.memory_space<hbm>> -> memref<1x125x80xi32, #tpu.memory_space<hbm>>
      %dma_start3A_104 = tpu.memref_squeeze %dma_start3A_103 : memref<1x125x80xi32, #tpu.memory_space<hbm>> -> memref<125x80xi32, #tpu.memory_space<hbm>>
      tpu.enqueue_dma source(%dma_start3A_104 : memref<125x80xi32, #tpu.memory_space<hbm>>) target(%arg5 : memref<125x80xi32, #tpu.memory_space<vmem>>) target_semaphore(%run_scoped3A : memref<!tpu.dma_semaphore, #tpu.memory_space<semaphore_mem>>)
      %dma_wait3A_105 = arith.constant 0 : i32
      %dma_wait3A_106 = arith.constant 0 : i32
      %dma_wait3A_107 = tpu.memref_slice %arg2[%add3A_5, %dma_wait3A_105, %dma_wait3A_106] : memref<32x125x80xi32, #tpu.memory_space<hbm>> -> memref<1x125x80xi32, #tpu.memory_space<hbm>>
      %dma_wait3A_108 = tpu.memref_squeeze %dma_wait3A_107 : memref<1x125x80xi32, #tpu.memory_space<hbm>> -> memref<125x80xi32, #tpu.memory_space<hbm>>
      %dma_wait3A_109 = arith.constant 0 : i32
      %dma_wait3A_110 = arith.constant 0 : i32
      %dma_wait3A_111 = tpu.memref_slice %arg2[%add3A_5, %dma_wait3A_109, %dma_wait3A_110] : memref<32x125x80xi32, #tpu.memory_space<hbm>> -> memref<1x125x80xi32, #tpu.memory_space<hbm>>
      %dma_wait3A_112 = tpu.memref_squeeze %dma_wait3A_111 : memref<1x125x80xi32, #tpu.memory_space<hbm>> -> memref<125x80xi32, #tpu.memory_space<hbm>>
      tpu.wait_dma2 semaphore(%run_scoped3A : memref<!tpu.dma_semaphore, #tpu.memory_space<semaphore_mem>>) src(%dma_wait3A_112 : memref<125x80xi32, #tpu.memory_space<hbm>>) dst(%arg5 : memref<125x80xi32, #tpu.memory_space<vmem>>)
      tpu.yield
    }) : () -> ()
    %scan3A = arith.constant 0 : i32
    %scan3A_6 = arith.constant 0 : i32
    %scan3A_7 = arith.constant 625 : i32
    %scan3A_8 = arith.addi %scan3A_6, %scan3A_7 : i32
    %scan3A_9 = arith.constant 1 : i32
    scf.for %scan3A_97 = %scan3A_6 to %scan3A_8 step %scan3A_9  : i32 {
      %jit3A = arith.constant 5 : i32
      %div3A = arith.divsi %scan3A_97, %jit3A : i32
      %sign3A = arith.constant 0 : i32
      %sign3A_98 = arith.cmpi sgt, %scan3A_97, %sign3A : i32
      %sign3A_99 = arith.extui %sign3A_98 : i1 to i32
      %sign3A_100 = arith.constant 0 : i32
      %sign3A_101 = arith.cmpi slt, %scan3A_97, %sign3A_100 : i32
      %sign3A_102 = arith.extui %sign3A_101 : i1 to i32
      %sign3A_103 = arith.subi %sign3A_99, %sign3A_102 : i32
      %sign3A_104 = arith.constant 0 : i32
      %sign3A_105 = arith.cmpi sgt, %jit3A, %sign3A_104 : i32
      %sign3A_106 = arith.extui %sign3A_105 : i1 to i32
      %sign3A_107 = arith.constant 0 : i32
      %sign3A_108 = arith.cmpi slt, %jit3A, %sign3A_107 : i32
      %sign3A_109 = arith.extui %sign3A_108 : i1 to i32
      %sign3A_110 = arith.subi %sign3A_106, %sign3A_109 : i32
      %ne3A = arith.cmpi ne, %sign3A_103, %sign3A_110 : i32
      %rem3A = arith.remsi %scan3A_97, %jit3A : i32
      %ne3A_111 = arith.constant 0 : i32
      %ne3A_112 = arith.cmpi ne, %rem3A, %ne3A_111 : i32
      %and3A = arith.andi %ne3A, %ne3A_112 : i1
      %sub3A = arith.constant 1 : i32
      %sub3A_113 = arith.subi %div3A, %sub3A : i32
      %select_n3A = arith.select %and3A, %sub3A_113, %div3A : i32
      %jit3A_114 = arith.constant 5 : i32
      %eq3A_115 = arith.constant 0 : i32
      %eq3A_116 = arith.cmpi eq, %jit3A_114, %eq3A_115 : i32
      %jit3A_117 = arith.constant 1 : i32
      %select_n3A_118 = arith.select %eq3A_116, %jit3A_117, %jit3A_114 : i32
      %rem3A_119 = arith.remsi %scan3A_97, %select_n3A_118 : i32
      %ne3A_120 = arith.constant 0 : i32
      %ne3A_121 = arith.cmpi ne, %rem3A_119, %ne3A_120 : i32
      %lt3A_122 = arith.constant 0 : i32
      %lt3A_123 = arith.cmpi slt, %rem3A_119, %lt3A_122 : i32
      %lt3A_124 = arith.constant 0 : i32
      %lt3A_125 = arith.cmpi slt, %select_n3A_118, %lt3A_124 : i32
      %ne3A_126 = arith.xori %lt3A_123, %lt3A_125 : i1
      %and3A_127 = arith.andi %ne3A_126, %ne3A_121 : i1
      %add3A_128 = arith.addi %rem3A_119, %select_n3A_118 : i32
      %select_n3A_129 = arith.select %and3A_127, %add3A_128, %rem3A_119 : i32
      %mul3A_130 = arith.constant 16 : i32
      %mul3A_131 = arith.muli %select_n3A_129, %mul3A_130 : i32
      %get3A = arith.index_cast %select_n3A : i32 to index
      %get3A_132 = arith.index_cast %mul3A_131 : i32 to index
      %get3A_133 = tpu.vector_load %arg5[%get3A, %get3A_132] {strides = array<i32>} : memref<125x80xi32, #tpu.memory_space<vmem>>, vector<1x16xi32>,
      %get3A_134 = vector.shape_cast %get3A_133 : vector<1x16xi32> to vector<16xi32>
      %shift_right_logical3A = arith.constant 1 : i32
      %shift_right_logical3A_135 = vector.broadcast %shift_right_logical3A : i32 to vector<16xi32>
      %shift_right_logical3A_136 = arith.shrui %get3A_134, %shift_right_logical3A_135 : vector<16xi32>
      %swap3A = arith.index_cast %select_n3A : i32 to index
      %swap3A_137 = arith.index_cast %mul3A_131 : i32 to index
      %swap3A_138 = tpu.vector_load %arg5[%swap3A, %swap3A_137] {strides = array<i32>} : memref<125x80xi32, #tpu.memory_space<vmem>>, vector<1x16xi32>,
      %swap3A_139 = vector.shape_cast %swap3A_138 : vector<1x16xi32> to vector<16xi32>
      %swap3A_140 = vector.shape_cast %shift_right_logical3A_136 : vector<16xi32> to vector<1x16xi32>
      tpu.vector_store %arg5[%swap3A, %swap3A_137], %swap3A_140 {strides = array<i32>} : memref<125x80xi32, #tpu.memory_space<vmem>>, vector<1x16xi32>,
    }
    %scan3A_10 = arith.constant 625 : i32
    %scan3A_11 = arith.constant 0 : i32
    %scan3A_12 = arith.constant 0 : i32
    %scan3A_13 = arith.constant 2624 : i32
    %scan3A_14 = arith.addi %scan3A_12, %scan3A_13 : i32
    %scan3A_15 = arith.constant 1 : i32
    scf.for %scan3A_97 = %scan3A_12 to %scan3A_14 step %scan3A_15  : i32 {
      %jit3A = arith.constant 8 : i32
      %div3A = arith.divsi %scan3A_97, %jit3A : i32
      %sign3A = arith.constant 0 : i32
      %sign3A_98 = arith.cmpi sgt, %scan3A_97, %sign3A : i32
      %sign3A_99 = arith.extui %sign3A_98 : i1 to i32
      %sign3A_100 = arith.constant 0 : i32
      %sign3A_101 = arith.cmpi slt, %scan3A_97, %sign3A_100 : i32
      %sign3A_102 = arith.extui %sign3A_101 : i1 to i32
      %sign3A_103 = arith.subi %sign3A_99, %sign3A_102 : i32
      %sign3A_104 = arith.constant 0 : i32
      %sign3A_105 = arith.cmpi sgt, %jit3A, %sign3A_104 : i32
      %sign3A_106 = arith.extui %sign3A_105 : i1 to i32
      %sign3A_107 = arith.constant 0 : i32
      %sign3A_108 = arith.cmpi slt, %jit3A, %sign3A_107 : i32
      %sign3A_109 = arith.extui %sign3A_108 : i1 to i32
      %sign3A_110 = arith.subi %sign3A_106, %sign3A_109 : i32
      %ne3A = arith.cmpi ne, %sign3A_103, %sign3A_110 : i32
      %rem3A = arith.remsi %scan3A_97, %jit3A : i32
      %ne3A_111 = arith.constant 0 : i32
      %ne3A_112 = arith.cmpi ne, %rem3A, %ne3A_111 : i32
      %and3A = arith.andi %ne3A, %ne3A_112 : i1
      %sub3A = arith.constant 1 : i32
      %sub3A_113 = arith.subi %div3A, %sub3A : i32
      %select_n3A = arith.select %and3A, %sub3A_113, %div3A : i32
      %jit3A_114 = arith.constant 8 : i32
      %eq3A_115 = arith.constant 0 : i32
      %eq3A_116 = arith.cmpi eq, %jit3A_114, %eq3A_115 : i32
      %jit3A_117 = arith.constant 1 : i32
      %select_n3A_118 = arith.select %eq3A_116, %jit3A_117, %jit3A_114 : i32
      %rem3A_119 = arith.remsi %scan3A_97, %select_n3A_118 : i32
      %ne3A_120 = arith.constant 0 : i32
      %ne3A_121 = arith.cmpi ne, %rem3A_119, %ne3A_120 : i32
      %lt3A_122 = arith.constant 0 : i32
      %lt3A_123 = arith.cmpi slt, %rem3A_119, %lt3A_122 : i32
      %lt3A_124 = arith.constant 0 : i32
      %lt3A_125 = arith.cmpi slt, %select_n3A_118, %lt3A_124 : i32
      %ne3A_126 = arith.xori %lt3A_123, %lt3A_125 : i1
      %and3A_127 = arith.andi %ne3A_126, %ne3A_121 : i1
      %add3A_128 = arith.addi %rem3A_119, %select_n3A_118 : i32
      %select_n3A_129 = arith.select %and3A_127, %add3A_128, %rem3A_119 : i32
      %mul3A_130 = arith.constant 16 : i32
      %mul3A_131 = arith.muli %select_n3A_129, %mul3A_130 : i32
      %broadcast_in_dim3A = arith.constant 0.000000e+00 : f32
      %broadcast_in_dim3A_132 = vector.broadcast %broadcast_in_dim3A : f32 to vector<16xf32>
      %swap3A = arith.index_cast %select_n3A : i32 to index
      %swap3A_133 = arith.index_cast %mul3A_131 : i32 to index
      %swap3A_134 = tpu.vector_load %arg15[%swap3A, %swap3A_133] {strides = array<i32>} : memref<328x128xf32, #tpu.memory_space<vmem>>, vector<1x16xf32>,
      %swap3A_135 = vector.shape_cast %swap3A_134 : vector<1x16xf32> to vector<16xf32>
      %swap3A_136 = vector.shape_cast %broadcast_in_dim3A_132 : vector<16xf32> to vector<1x16xf32>
      tpu.vector_store %arg15[%swap3A, %swap3A_133], %swap3A_136 {strides = array<i32>} : memref<328x128xf32, #tpu.memory_space<vmem>>, vector<1x16xf32>,
    }
    %scan3A_16 = arith.constant 2624 : i32
    %lt3A = arith.constant 15 : i32
    %lt3A_17 = arith.cmpi slt, %arg1, %lt3A : i32
    %convert_element_type3A = arith.extui %lt3A_17 : i1 to i32
    %cond3A = arith.constant 0 : i32
    %cond3A_18 = arith.cmpi ne, %convert_element_type3A, %cond3A : i32
    scf.if %cond3A_18 {
      %mul3A_97 = arith.constant 312 : i32
      %mul3A_98 = arith.muli %arg1, %mul3A_97 : i32
      "tpu.region"() ({
        %run_scoped3A = tpu.sem_alloc : memref<!tpu.dma_semaphore, #tpu.memory_space<semaphore_mem>>
        %dma_start3A_99 = arith.constant 0 : i32
        %dma_start3A_100 = arith.constant 0 : i32
        %dma_start3A_101 = tpu.memref_slice %arg15[%dma_start3A_99, %dma_start3A_100] : memref<328x128xf32, #tpu.memory_space<vmem>> -> memref<312x128xf32, #tpu.memory_space<vmem>>
        %dma_start3A_102 = arith.constant 0 : i32
        %dma_start3A_103 = tpu.memref_slice %arg16[%mul3A_98, %dma_start3A_102] : memref<5008x128xf32, #tpu.memory_space<vmem_shared>> -> memref<312x128xf32, #tpu.memory_space<vmem_shared>>
        %dma_start3A_104 = arith.constant 0 : i32
        %dma_start3A_105 = tpu.memref_slice %arg16[%mul3A_98, %dma_start3A_104] : memref<5008x128xf32, #tpu.memory_space<vmem_shared>> -> memref<312x128xf32, #tpu.memory_space<vmem_shared>>
        %dma_start3A_106 = arith.constant 0 : i32
        %dma_start3A_107 = arith.constant 0 : i32
        %dma_start3A_108 = tpu.memref_slice %arg15[%dma_start3A_106, %dma_start3A_107] : memref<328x128xf32, #tpu.memory_space<vmem>> -> memref<312x128xf32, #tpu.memory_space<vmem>>
        tpu.enqueue_dma source(%dma_start3A_108 : memref<312x128xf32, #tpu.memory_space<vmem>>) target(%dma_start3A_105 : memref<312x128xf32, #tpu.memory_space<vmem_shared>>) target_semaphore(%run_scoped3A : memref<!tpu.dma_semaphore, #tpu.memory_space<semaphore_mem>>)
        %dma_wait3A_109 = arith.constant 0 : i32
        %dma_wait3A_110 = arith.constant 0 : i32
        %dma_wait3A_111 = tpu.memref_slice %arg15[%dma_wait3A_109, %dma_wait3A_110] : memref<328x128xf32, #tpu.memory_space<vmem>> -> memref<312x128xf32, #tpu.memory_space<vmem>>
        %dma_wait3A_112 = arith.constant 0 : i32
        %dma_wait3A_113 = tpu.memref_slice %arg16[%mul3A_98, %dma_wait3A_112] : memref<5008x128xf32, #tpu.memory_space<vmem_shared>> -> memref<312x128xf32, #tpu.memory_space<vmem_shared>>
        %dma_wait3A_114 = arith.constant 0 : i32
        %dma_wait3A_115 = tpu.memref_slice %arg16[%mul3A_98, %dma_wait3A_114] : memref<5008x128xf32, #tpu.memory_space<vmem_shared>> -> memref<312x128xf32, #tpu.memory_space<vmem_shared>>
        %dma_wait3A_116 = arith.constant 0 : i32
        %dma_wait3A_117 = arith.constant 0 : i32
        %dma_wait3A_118 = tpu.memref_slice %arg15[%dma_wait3A_116, %dma_wait3A_117] : memref<328x128xf32, #tpu.memory_space<vmem>> -> memref<312x128xf32, #tpu.memory_space<vmem>>
        tpu.wait_dma2 semaphore(%run_scoped3A : memref<!tpu.dma_semaphore, #tpu.memory_space<semaphore_mem>>) src(%dma_wait3A_118 : memref<312x128xf32, #tpu.memory_space<vmem>>) dst(%dma_wait3A_115 : memref<312x128xf32, #tpu.memory_space<vmem_shared>>)
        tpu.yield
      }) : () -> ()
    } else {
    }
    %eq3A = arith.constant 15 : i32
    %eq3A_19 = arith.cmpi eq, %arg1, %eq3A : i32
    %convert_element_type3A_20 = arith.extui %eq3A_19 : i1 to i32
    %cond3A_21 = arith.constant 0 : i32
    %cond3A_22 = arith.cmpi ne, %convert_element_type3A_20, %cond3A_21 : i32
    scf.if %cond3A_22 {
      "tpu.region"() ({
        %run_scoped3A = tpu.sem_alloc : memref<!tpu.dma_semaphore, #tpu.memory_space<semaphore_mem>>
        %dma_start3A_97 = arith.constant 4680 : i32
        %dma_start3A_98 = arith.constant 0 : i32
        %dma_start3A_99 = tpu.memref_slice %arg16[%dma_start3A_97, %dma_start3A_98] : memref<5008x128xf32, #tpu.memory_space<vmem_shared>> -> memref<328x128xf32, #tpu.memory_space<vmem_shared>>
        %dma_start3A_100 = arith.constant 4680 : i32
        %dma_start3A_101 = arith.constant 0 : i32
        %dma_start3A_102 = tpu.memref_slice %arg16[%dma_start3A_100, %dma_start3A_101] : memref<5008x128xf32, #tpu.memory_space<vmem_shared>> -> memref<328x128xf32, #tpu.memory_space<vmem_shared>>
        tpu.enqueue_dma source(%arg15 : memref<328x128xf32, #tpu.memory_space<vmem>>) target(%dma_start3A_102 : memref<328x128xf32, #tpu.memory_space<vmem_shared>>) target_semaphore(%run_scoped3A : memref<!tpu.dma_semaphore, #tpu.memory_space<semaphore_mem>>)
        %dma_wait3A_103 = arith.constant 4680 : i32
        %dma_wait3A_104 = arith.constant 0 : i32
        %dma_wait3A_105 = tpu.memref_slice %arg16[%dma_wait3A_103, %dma_wait3A_104] : memref<5008x128xf32, #tpu.memory_space<vmem_shared>> -> memref<328x128xf32, #tpu.memory_space<vmem_shared>>
        %dma_wait3A_106 = arith.constant 4680 : i32
        %dma_wait3A_107 = arith.constant 0 : i32
        %dma_wait3A_108 = tpu.memref_slice %arg16[%dma_wait3A_106, %dma_wait3A_107] : memref<5008x128xf32, #tpu.memory_space<vmem_shared>> -> memref<328x128xf32, #tpu.memory_space<vmem_shared>>
        tpu.wait_dma2 semaphore(%run_scoped3A : memref<!tpu.dma_semaphore, #tpu.memory_space<semaphore_mem>>) src(%arg15 : memref<328x128xf32, #tpu.memory_space<vmem>>) dst(%dma_wait3A_108 : memref<328x128xf32, #tpu.memory_space<vmem_shared>>)
        tpu.yield
      }) : () -> ()
    } else {
    }
    %barrier3A = arith.constant 0 : index
    tpu.barrier barrier_id(%barrier3A)
    %add3A_23 = arith.constant 0 : i32
    %add3A_24 = arith.addi %add3A, %add3A_23 : i32
    %dma_start3A = arith.constant 0 : i32
    %dma_start3A_25 = tpu.memref_slice %arg3[%add3A_24, %dma_start3A] : memref<320000x128xf32, #tpu.memory_space<hbm>> -> memref<80x128xf32, #tpu.memory_space<hbm>>
    %dma_start3A_26 = arith.constant 0 : i32
    %dma_start3A_27 = tpu.memref_slice %arg3[%add3A_24, %dma_start3A_26] : memref<320000x128xf32, #tpu.memory_space<hbm>> -> memref<80x128xf32, #tpu.memory_space<hbm>>
    tpu.enqueue_dma source(%dma_start3A_27 : memref<80x128xf32, #tpu.memory_space<hbm>>) target(%arg6 : memref<80x128xf32, #tpu.memory_space<vmem>>) target_semaphore(%arg9 : memref<!tpu.dma_semaphore, #tpu.memory_space<semaphore_mem>>)
    %add3A_28 = arith.constant 80 : i32
    %add3A_29 = arith.addi %add3A, %add3A_28 : i32
    %dma_start3A_30 = arith.constant 0 : i32
    %dma_start3A_31 = tpu.memref_slice %arg3[%add3A_29, %dma_start3A_30] : memref<320000x128xf32, #tpu.memory_space<hbm>> -> memref<80x128xf32, #tpu.memory_space<hbm>>
    %dma_start3A_32 = arith.constant 0 : i32
    %dma_start3A_33 = tpu.memref_slice %arg3[%add3A_29, %dma_start3A_32] : memref<320000x128xf32, #tpu.memory_space<hbm>> -> memref<80x128xf32, #tpu.memory_space<hbm>>
    tpu.enqueue_dma source(%dma_start3A_33 : memref<80x128xf32, #tpu.memory_space<hbm>>) target(%arg7 : memref<80x128xf32, #tpu.memory_space<vmem>>) target_semaphore(%arg10 : memref<!tpu.dma_semaphore, #tpu.memory_space<semaphore_mem>>)
    %scan3A_34 = arith.constant 0 : i32
    %scan3A_35 = arith.constant 0 : i32
    %scan3A_36 = arith.constant 41 : i32
    %scan3A_37 = arith.addi %scan3A_35, %scan3A_36 : i32
    %scan3A_38 = arith.constant 1 : i32
    scf.for %scan3A_97 = %scan3A_35 to %scan3A_37 step %scan3A_38  : i32 {
      %mul3A_98 = arith.constant 3 : i32
      %mul3A_99 = arith.muli %mul3A_98, %scan3A_97 : i32
      %add3A_100 = arith.constant 0 : i32
      %add3A_101 = arith.addi %mul3A_99, %add3A_100 : i32
      %ge3A = arith.constant 1 : i32
      %ge3A_102 = arith.cmpi sge, %scan3A_97, %ge3A : i32
      %convert_element_type3A_103 = arith.extui %ge3A_102 : i1 to i32
      %cond3A_104 = arith.constant 0 : i32
      %cond3A_105 = arith.cmpi ne, %convert_element_type3A_103, %cond3A_104 : i32
      scf.if %cond3A_105 {
        %sub3A_191 = arith.constant 1 : i32
        %sub3A_192 = arith.subi %add3A_101, %sub3A_191 : i32
        %dma_wait3A_193 = arith.constant 0 : i32
        %dma_wait3A_194 = tpu.memref_slice %arg5[%sub3A_192, %dma_wait3A_193] : memref<125x80xi32, #tpu.memory_space<vmem>> -> memref<1x80xi32, #tpu.memory_space<vmem>>
        %dma_wait3A_195 = tpu.memref_squeeze %dma_wait3A_194 : memref<1x80xi32, #tpu.memory_space<vmem>> -> memref<80xi32, #tpu.memory_space<vmem>>
        %dma_wait3A_196 = arith.constant 0 : i32
        %dma_wait3A_197 = arith.constant 0 : i32
        %dma_wait3A_198 = tpu.memref_slice %arg16[%dma_wait3A_196, %dma_wait3A_197] : memref<5008x128xf32, #tpu.memory_space<vmem_shared>> -> memref<5008x128xf32, #tpu.memory_space<vmem_shared>>
        tpu.wait_indirect_dma semaphore(%arg14 : memref<!tpu.dma_semaphore, #tpu.memory_space<semaphore_mem>>) src(%arg8 : memref<80x128xf32, #tpu.memory_space<vmem>>) dst(%dma_wait3A_198 : memref<5008x128xf32, #tpu.memory_space<vmem_shared>>)
      } else {
      }
      %add3A_106 = arith.constant 2 : i32
      %add3A_107 = arith.addi %add3A_101, %add3A_106 : i32
      %mul3A_108 = arith.constant 80 : i32
      %mul3A_109 = arith.muli %add3A_107, %mul3A_108 : i32
      %add3A_110 = arith.addi %add3A, %mul3A_109 : i32
      %dma_start3A_111 = arith.constant 0 : i32
      %dma_start3A_112 = tpu.memref_slice %arg3[%add3A_110, %dma_start3A_111] : memref<320000x128xf32, #tpu.memory_space<hbm>> -> memref<80x128xf32, #tpu.memory_space<hbm>>
      %dma_start3A_113 = arith.constant 0 : i32
      %dma_start3A_114 = tpu.memref_slice %arg3[%add3A_110, %dma_start3A_113] : memref<320000x128xf32, #tpu.memory_space<hbm>> -> memref<80x128xf32, #tpu.memory_space<hbm>>
      tpu.enqueue_dma source(%dma_start3A_114 : memref<80x128xf32, #tpu.memory_space<hbm>>) target(%arg8 : memref<80x128xf32, #tpu.memory_space<vmem>>) target_semaphore(%arg11 : memref<!tpu.dma_semaphore, #tpu.memory_space<semaphore_mem>>)
      %mul3A_115 = arith.constant 80 : i32
      %mul3A_116 = arith.muli %add3A_101, %mul3A_115 : i32
      %add3A_117 = arith.addi %add3A, %mul3A_116 : i32
      %dma_wait3A_118 = arith.constant 0 : i32
      %dma_wait3A_119 = tpu.memref_slice %arg3[%add3A_117, %dma_wait3A_118] : memref<320000x128xf32, #tpu.memory_space<hbm>> -> memref<80x128xf32, #tpu.memory_space<hbm>>
      %dma_wait3A_120 = arith.constant 0 : i32
      %dma_wait3A_121 = tpu.memref_slice %arg3[%add3A_117, %dma_wait3A_120] : memref<320000x128xf32, #tpu.memory_space<hbm>> -> memref<80x128xf32, #tpu.memory_space<hbm>>
      tpu.wait_dma2 semaphore(%arg9 : memref<!tpu.dma_semaphore, #tpu.memory_space<semaphore_mem>>) src(%dma_wait3A_121 : memref<80x128xf32, #tpu.memory_space<hbm>>) dst(%arg6 : memref<80x128xf32, #tpu.memory_space<vmem>>)
      %dma_start3A_122 = arith.constant 0 : i32
      %dma_start3A_123 = tpu.memref_slice %arg5[%add3A_101, %dma_start3A_122] : memref<125x80xi32, #tpu.memory_space<vmem>> -> memref<1x80xi32, #tpu.memory_space<vmem>>
      %dma_start3A_124 = tpu.memref_squeeze %dma_start3A_123 : memref<1x80xi32, #tpu.memory_space<vmem>> -> memref<80xi32, #tpu.memory_space<vmem>>
      %dma_start3A_125 = arith.constant 0 : i32
      %dma_start3A_126 = arith.constant 0 : i32
      %dma_start3A_127 = tpu.memref_slice %arg16[%dma_start3A_125, %dma_start3A_126] : memref<5008x128xf32, #tpu.memory_space<vmem_shared>> -> memref<5008x128xf32, #tpu.memory_space<vmem_shared>>
      tpu.enqueue_indirect_dma source(%arg6 : memref<80x128xf32, #tpu.memory_space<vmem>>) target(%dma_start3A_127 : memref<5008x128xf32, #tpu.memory_space<vmem_shared>>) offsets(%dma_start3A_124 : memref<80xi32, #tpu.memory_space<vmem>>) semaphore(%arg12 : memref<!tpu.dma_semaphore, #tpu.memory_space<semaphore_mem>>) {add = true}
      %add3A_128 = arith.constant 1 : i32
      %add3A_129 = arith.addi %mul3A_99, %add3A_128 : i32
      %sub3A = arith.constant 1 : i32
      %sub3A_130 = arith.subi %add3A_129, %sub3A : i32
      %dma_wait3A_131 = arith.constant 0 : i32
      %dma_wait3A_132 = tpu.memref_slice %arg5[%sub3A_130, %dma_wait3A_131] : memref<125x80xi32, #tpu.memory_space<vmem>> -> memref<1x80xi32, #tpu.memory_space<vmem>>
      %dma_wait3A_133 = tpu.memref_squeeze %dma_wait3A_132 : memref<1x80xi32, #tpu.memory_space<vmem>> -> memref<80xi32, #tpu.memory_space<vmem>>
      %dma_wait3A_134 = arith.constant 0 : i32
      %dma_wait3A_135 = arith.constant 0 : i32
      %dma_wait3A_136 = tpu.memref_slice %arg16[%dma_wait3A_134, %dma_wait3A_135] : memref<5008x128xf32, #tpu.memory_space<vmem_shared>> -> memref<5008x128xf32, #tpu.memory_space<vmem_shared>>
      tpu.wait_indirect_dma semaphore(%arg12 : memref<!tpu.dma_semaphore, #tpu.memory_space<semaphore_mem>>) src(%arg6 : memref<80x128xf32, #tpu.memory_space<vmem>>) dst(%dma_wait3A_136 : memref<5008x128xf32, #tpu.memory_space<vmem_shared>>)
      %add3A_137 = arith.constant 2 : i32
      %add3A_138 = arith.addi %add3A_129, %add3A_137 : i32
      %mul3A_139 = arith.constant 80 : i32
      %mul3A_140 = arith.muli %add3A_138, %mul3A_139 : i32
      %add3A_141 = arith.addi %add3A, %mul3A_140 : i32
      %dma_start3A_142 = arith.constant 0 : i32
      %dma_start3A_143 = tpu.memref_slice %arg3[%add3A_141, %dma_start3A_142] : memref<320000x128xf32, #tpu.memory_space<hbm>> -> memref<80x128xf32, #tpu.memory_space<hbm>>
      %dma_start3A_144 = arith.constant 0 : i32
      %dma_start3A_145 = tpu.memref_slice %arg3[%add3A_141, %dma_start3A_144] : memref<320000x128xf32, #tpu.memory_space<hbm>> -> memref<80x128xf32, #tpu.memory_space<hbm>>
      tpu.enqueue_dma source(%dma_start3A_145 : memref<80x128xf32, #tpu.memory_space<hbm>>) target(%arg6 : memref<80x128xf32, #tpu.memory_space<vmem>>) target_semaphore(%arg9 : memref<!tpu.dma_semaphore, #tpu.memory_space<semaphore_mem>>)
      %mul3A_146 = arith.constant 80 : i32
      %mul3A_147 = arith.muli %add3A_129, %mul3A_146 : i32
      %add3A_148 = arith.addi %add3A, %mul3A_147 : i32
      %dma_wait3A_149 = arith.constant 0 : i32
      %dma_wait3A_150 = tpu.memref_slice %arg3[%add3A_148, %dma_wait3A_149] : memref<320000x128xf32, #tpu.memory_space<hbm>> -> memref<80x128xf32, #tpu.memory_space<hbm>>
      %dma_wait3A_151 = arith.constant 0 : i32
      %dma_wait3A_152 = tpu.memref_slice %arg3[%add3A_148, %dma_wait3A_151] : memref<320000x128xf32, #tpu.memory_space<hbm>> -> memref<80x128xf32, #tpu.memory_space<hbm>>
      tpu.wait_dma2 semaphore(%arg10 : memref<!tpu.dma_semaphore, #tpu.memory_space<semaphore_mem>>) src(%dma_wait3A_152 : memref<80x128xf32, #tpu.memory_space<hbm>>) dst(%arg7 : memref<80x128xf32, #tpu.memory_space<vmem>>)
      %dma_start3A_153 = arith.constant 0 : i32
      %dma_start3A_154 = tpu.memref_slice %arg5[%add3A_129, %dma_start3A_153] : memref<125x80xi32, #tpu.memory_space<vmem>> -> memref<1x80xi32, #tpu.memory_space<vmem>>
      %dma_start3A_155 = tpu.memref_squeeze %dma_start3A_154 : memref<1x80xi32, #tpu.memory_space<vmem>> -> memref<80xi32, #tpu.memory_space<vmem>>
      %dma_start3A_156 = arith.constant 0 : i32
      %dma_start3A_157 = arith.constant 0 : i32
      %dma_start3A_158 = tpu.memref_slice %arg16[%dma_start3A_156, %dma_start3A_157] : memref<5008x128xf32, #tpu.memory_space<vmem_shared>> -> memref<5008x128xf32, #tpu.memory_space<vmem_shared>>
      tpu.enqueue_indirect_dma source(%arg7 : memref<80x128xf32, #tpu.memory_space<vmem>>) target(%dma_start3A_158 : memref<5008x128xf32, #tpu.memory_space<vmem_shared>>) offsets(%dma_start3A_155 : memref<80xi32, #tpu.memory_space<vmem>>) semaphore(%arg13 : memref<!tpu.dma_semaphore, #tpu.memory_space<semaphore_mem>>) {add = true}
      %add3A_159 = arith.constant 2 : i32
      %add3A_160 = arith.addi %mul3A_99, %add3A_159 : i32
      %sub3A_161 = arith.constant 1 : i32
      %sub3A_162 = arith.subi %add3A_160, %sub3A_161 : i32
      %dma_wait3A_163 = arith.constant 0 : i32
      %dma_wait3A_164 = tpu.memref_slice %arg5[%sub3A_162, %dma_wait3A_163] : memref<125x80xi32, #tpu.memory_space<vmem>> -> memref<1x80xi32, #tpu.memory_space<vmem>>
      %dma_wait3A_165 = tpu.memref_squeeze %dma_wait3A_164 : memref<1x80xi32, #tpu.memory_space<vmem>> -> memref<80xi32, #tpu.memory_space<vmem>>
      %dma_wait3A_166 = arith.constant 0 : i32
      %dma_wait3A_167 = arith.constant 0 : i32
      %dma_wait3A_168 = tpu.memref_slice %arg16[%dma_wait3A_166, %dma_wait3A_167] : memref<5008x128xf32, #tpu.memory_space<vmem_shared>> -> memref<5008x128xf32, #tpu.memory_space<vmem_shared>>
      tpu.wait_indirect_dma semaphore(%arg13 : memref<!tpu.dma_semaphore, #tpu.memory_space<semaphore_mem>>) src(%arg7 : memref<80x128xf32, #tpu.memory_space<vmem>>) dst(%dma_wait3A_168 : memref<5008x128xf32, #tpu.memory_space<vmem_shared>>)
      %add3A_169 = arith.constant 2 : i32
      %add3A_170 = arith.addi %add3A_160, %add3A_169 : i32
      %mul3A_171 = arith.constant 80 : i32
      %mul3A_172 = arith.muli %add3A_170, %mul3A_171 : i32
      %add3A_173 = arith.addi %add3A, %mul3A_172 : i32
      %dma_start3A_174 = arith.constant 0 : i32
      %dma_start3A_175 = tpu.memref_slice %arg3[%add3A_173, %dma_start3A_174] : memref<320000x128xf32, #tpu.memory_space<hbm>> -> memref<80x128xf32, #tpu.memory_space<hbm>>
      %dma_start3A_176 = arith.constant 0 : i32
      %dma_start3A_177 = tpu.memref_slice %arg3[%add3A_173, %dma_start3A_176] : memref<320000x128xf32, #tpu.memory_space<hbm>> -> memref<80x128xf32, #tpu.memory_space<hbm>>
      tpu.enqueue_dma source(%dma_start3A_177 : memref<80x128xf32, #tpu.memory_space<hbm>>) target(%arg7 : memref<80x128xf32, #tpu.memory_space<vmem>>) target_semaphore(%arg10 : memref<!tpu.dma_semaphore, #tpu.memory_space<semaphore_mem>>)
      %mul3A_178 = arith.constant 80 : i32
      %mul3A_179 = arith.muli %add3A_160, %mul3A_178 : i32
      %add3A_180 = arith.addi %add3A, %mul3A_179 : i32
      %dma_wait3A_181 = arith.constant 0 : i32
      %dma_wait3A_182 = tpu.memref_slice %arg3[%add3A_180, %dma_wait3A_181] : memref<320000x128xf32, #tpu.memory_space<hbm>> -> memref<80x128xf32, #tpu.memory_space<hbm>>
      %dma_wait3A_183 = arith.constant 0 : i32
      %dma_wait3A_184 = tpu.memref_slice %arg3[%add3A_180, %dma_wait3A_183] : memref<320000x128xf32, #tpu.memory_space<hbm>> -> memref<80x128xf32, #tpu.memory_space<hbm>>
      tpu.wait_dma2 semaphore(%arg11 : memref<!tpu.dma_semaphore, #tpu.memory_space<semaphore_mem>>) src(%dma_wait3A_184 : memref<80x128xf32, #tpu.memory_space<hbm>>) dst(%arg8 : memref<80x128xf32, #tpu.memory_space<vmem>>)
      %dma_start3A_185 = arith.constant 0 : i32
      %dma_start3A_186 = tpu.memref_slice %arg5[%add3A_160, %dma_start3A_185] : memref<125x80xi32, #tpu.memory_space<vmem>> -> memref<1x80xi32, #tpu.memory_space<vmem>>
      %dma_start3A_187 = tpu.memref_squeeze %dma_start3A_186 : memref<1x80xi32, #tpu.memory_space<vmem>> -> memref<80xi32, #tpu.memory_space<vmem>>
      %dma_start3A_188 = arith.constant 0 : i32
      %dma_start3A_189 = arith.constant 0 : i32
      %dma_start3A_190 = tpu.memref_slice %arg16[%dma_start3A_188, %dma_start3A_189] : memref<5008x128xf32, #tpu.memory_space<vmem_shared>> -> memref<5008x128xf32, #tpu.memory_space<vmem_shared>>
      tpu.enqueue_indirect_dma source(%arg8 : memref<80x128xf32, #tpu.memory_space<vmem>>) target(%dma_start3A_190 : memref<5008x128xf32, #tpu.memory_space<vmem_shared>>) offsets(%dma_start3A_187 : memref<80xi32, #tpu.memory_space<vmem>>) semaphore(%arg14 : memref<!tpu.dma_semaphore, #tpu.memory_space<semaphore_mem>>) {add = true}
    }
    %scan3A_39 = arith.constant 41 : i32
    %add3A_40 = arith.constant 9840 : i32
    %add3A_41 = arith.addi %add3A, %add3A_40 : i32
    %dma_wait3A = arith.constant 0 : i32
    %dma_wait3A_42 = tpu.memref_slice %arg3[%add3A_41, %dma_wait3A] : memref<320000x128xf32, #tpu.memory_space<hbm>> -> memref<80x128xf32, #tpu.memory_space<hbm>>
    %dma_wait3A_43 = arith.constant 0 : i32
    %dma_wait3A_44 = tpu.memref_slice %arg3[%add3A_41, %dma_wait3A_43] : memref<320000x128xf32, #tpu.memory_space<hbm>> -> memref<80x128xf32, #tpu.memory_space<hbm>>
    tpu.wait_dma2 semaphore(%arg9 : memref<!tpu.dma_semaphore, #tpu.memory_space<semaphore_mem>>) src(%dma_wait3A_44 : memref<80x128xf32, #tpu.memory_space<hbm>>) dst(%arg6 : memref<80x128xf32, #tpu.memory_space<vmem>>)
    %dma_start3A_45 = arith.constant 123 : i32
    %dma_start3A_46 = arith.constant 0 : i32
    %dma_start3A_47 = tpu.memref_slice %arg5[%dma_start3A_45, %dma_start3A_46] : memref<125x80xi32, #tpu.memory_space<vmem>> -> memref<1x80xi32, #tpu.memory_space<vmem>>
    %dma_start3A_48 = tpu.memref_squeeze %dma_start3A_47 : memref<1x80xi32, #tpu.memory_space<vmem>> -> memref<80xi32, #tpu.memory_space<vmem>>
    %dma_start3A_49 = arith.constant 0 : i32
    %dma_start3A_50 = arith.constant 0 : i32
    %dma_start3A_51 = tpu.memref_slice %arg16[%dma_start3A_49, %dma_start3A_50] : memref<5008x128xf32, #tpu.memory_space<vmem_shared>> -> memref<5008x128xf32, #tpu.memory_space<vmem_shared>>
    tpu.enqueue_indirect_dma source(%arg6 : memref<80x128xf32, #tpu.memory_space<vmem>>) target(%dma_start3A_51 : memref<5008x128xf32, #tpu.memory_space<vmem_shared>>) offsets(%dma_start3A_48 : memref<80xi32, #tpu.memory_space<vmem>>) semaphore(%arg12 : memref<!tpu.dma_semaphore, #tpu.memory_space<semaphore_mem>>) {add = true}
    %add3A_52 = arith.constant 9920 : i32
    %add3A_53 = arith.addi %add3A, %add3A_52 : i32
    %dma_wait3A_54 = arith.constant 0 : i32
    %dma_wait3A_55 = tpu.memref_slice %arg3[%add3A_53, %dma_wait3A_54] : memref<320000x128xf32, #tpu.memory_space<hbm>> -> memref<80x128xf32, #tpu.memory_space<hbm>>
    %dma_wait3A_56 = arith.constant 0 : i32
    %dma_wait3A_57 = tpu.memref_slice %arg3[%add3A_53, %dma_wait3A_56] : memref<320000x128xf32, #tpu.memory_space<hbm>> -> memref<80x128xf32, #tpu.memory_space<hbm>>
    tpu.wait_dma2 semaphore(%arg10 : memref<!tpu.dma_semaphore, #tpu.memory_space<semaphore_mem>>) src(%dma_wait3A_57 : memref<80x128xf32, #tpu.memory_space<hbm>>) dst(%arg7 : memref<80x128xf32, #tpu.memory_space<vmem>>)
    %dma_start3A_58 = arith.constant 124 : i32
    %dma_start3A_59 = arith.constant 0 : i32
    %dma_start3A_60 = tpu.memref_slice %arg5[%dma_start3A_58, %dma_start3A_59] : memref<125x80xi32, #tpu.memory_space<vmem>> -> memref<1x80xi32, #tpu.memory_space<vmem>>
    %dma_start3A_61 = tpu.memref_squeeze %dma_start3A_60 : memref<1x80xi32, #tpu.memory_space<vmem>> -> memref<80xi32, #tpu.memory_space<vmem>>
    %dma_start3A_62 = arith.constant 0 : i32
    %dma_start3A_63 = arith.constant 0 : i32
    %dma_start3A_64 = tpu.memref_slice %arg16[%dma_start3A_62, %dma_start3A_63] : memref<5008x128xf32, #tpu.memory_space<vmem_shared>> -> memref<5008x128xf32, #tpu.memory_space<vmem_shared>>
    tpu.enqueue_indirect_dma source(%arg7 : memref<80x128xf32, #tpu.memory_space<vmem>>) target(%dma_start3A_64 : memref<5008x128xf32, #tpu.memory_space<vmem_shared>>) offsets(%dma_start3A_61 : memref<80xi32, #tpu.memory_space<vmem>>) semaphore(%arg13 : memref<!tpu.dma_semaphore, #tpu.memory_space<semaphore_mem>>) {add = true}
    %dma_wait3A_65 = arith.constant 122 : i32
    %dma_wait3A_66 = arith.constant 0 : i32
    %dma_wait3A_67 = tpu.memref_slice %arg5[%dma_wait3A_65, %dma_wait3A_66] : memref<125x80xi32, #tpu.memory_space<vmem>> -> memref<1x80xi32, #tpu.memory_space<vmem>>
    %dma_wait3A_68 = tpu.memref_squeeze %dma_wait3A_67 : memref<1x80xi32, #tpu.memory_space<vmem>> -> memref<80xi32, #tpu.memory_space<vmem>>
    %dma_wait3A_69 = arith.constant 0 : i32
    %dma_wait3A_70 = arith.constant 0 : i32
    %dma_wait3A_71 = tpu.memref_slice %arg16[%dma_wait3A_69, %dma_wait3A_70] : memref<5008x128xf32, #tpu.memory_space<vmem_shared>> -> memref<5008x128xf32, #tpu.memory_space<vmem_shared>>
    tpu.wait_indirect_dma semaphore(%arg14 : memref<!tpu.dma_semaphore, #tpu.memory_space<semaphore_mem>>) src(%arg8 : memref<80x128xf32, #tpu.memory_space<vmem>>) dst(%dma_wait3A_71 : memref<5008x128xf32, #tpu.memory_space<vmem_shared>>)
    %dma_wait3A_72 = arith.constant 123 : i32
    %dma_wait3A_73 = arith.constant 0 : i32
    %dma_wait3A_74 = tpu.memref_slice %arg5[%dma_wait3A_72, %dma_wait3A_73] : memref<125x80xi32, #tpu.memory_space<vmem>> -> memref<1x80xi32, #tpu.memory_space<vmem>>
    %dma_wait3A_75 = tpu.memref_squeeze %dma_wait3A_74 : memref<1x80xi32, #tpu.memory_space<vmem>> -> memref<80xi32, #tpu.memory_space<vmem>>
    %dma_wait3A_76 = arith.constant 0 : i32
    %dma_wait3A_77 = arith.constant 0 : i32
    %dma_wait3A_78 = tpu.memref_slice %arg16[%dma_wait3A_76, %dma_wait3A_77] : memref<5008x128xf32, #tpu.memory_space<vmem_shared>> -> memref<5008x128xf32, #tpu.memory_space<vmem_shared>>
    tpu.wait_indirect_dma semaphore(%arg12 : memref<!tpu.dma_semaphore, #tpu.memory_space<semaphore_mem>>) src(%arg6 : memref<80x128xf32, #tpu.memory_space<vmem>>) dst(%dma_wait3A_78 : memref<5008x128xf32, #tpu.memory_space<vmem_shared>>)
    %dma_wait3A_79 = arith.constant 124 : i32
    %dma_wait3A_80 = arith.constant 0 : i32
    %dma_wait3A_81 = tpu.memref_slice %arg5[%dma_wait3A_79, %dma_wait3A_80] : memref<125x80xi32, #tpu.memory_space<vmem>> -> memref<1x80xi32, #tpu.memory_space<vmem>>
    %dma_wait3A_82 = tpu.memref_squeeze %dma_wait3A_81 : memref<1x80xi32, #tpu.memory_space<vmem>> -> memref<80xi32, #tpu.memory_space<vmem>>
    %dma_wait3A_83 = arith.constant 0 : i32
    %dma_wait3A_84 = arith.constant 0 : i32
    %dma_wait3A_85 = tpu.memref_slice %arg16[%dma_wait3A_83, %dma_wait3A_84] : memref<5008x128xf32, #tpu.memory_space<vmem_shared>> -> memref<5008x128xf32, #tpu.memory_space<vmem_shared>>
    tpu.wait_indirect_dma semaphore(%arg13 : memref<!tpu.dma_semaphore, #tpu.memory_space<semaphore_mem>>) src(%arg7 : memref<80x128xf32, #tpu.memory_space<vmem>>) dst(%dma_wait3A_85 : memref<5008x128xf32, #tpu.memory_space<vmem_shared>>)
    %barrier3A_86 = arith.constant 0 : index
    tpu.barrier barrier_id(%barrier3A_86)
    %lt3A_87 = arith.constant 15 : i32
    %lt3A_88 = arith.cmpi slt, %arg1, %lt3A_87 : i32
    %convert_element_type3A_89 = arith.extui %lt3A_88 : i1 to i32
    %cond3A_90 = arith.constant 0 : i32
    %cond3A_91 = arith.cmpi ne, %convert_element_type3A_89, %cond3A_90 : i32
    scf.if %cond3A_91 {
      %mul3A_97 = arith.constant 312 : i32
      %mul3A_98 = arith.muli %arg1, %mul3A_97 : i32
      %mul3A_99 = arith.constant 312 : i32
      %mul3A_100 = arith.muli %arg1, %mul3A_99 : i32
      "tpu.region"() ({
        %run_scoped3A = tpu.sem_alloc : memref<!tpu.dma_semaphore, #tpu.memory_space<semaphore_mem>>
        %dma_start3A_101 = arith.constant 0 : i32
        %dma_start3A_102 = tpu.memref_slice %arg4[%arg0, %mul3A_100, %dma_start3A_101] : memref<2x5008x128xf32, #tpu.memory_space<hbm>> -> memref<1x312x128xf32, #tpu.memory_space<hbm>>
        %dma_start3A_103 = tpu.memref_squeeze %dma_start3A_102 : memref<1x312x128xf32, #tpu.memory_space<hbm>> -> memref<312x128xf32, #tpu.memory_space<hbm>>
        %dma_start3A_104 = arith.constant 0 : i32
        %dma_start3A_105 = tpu.memref_slice %arg16[%mul3A_98, %dma_start3A_104] : memref<5008x128xf32, #tpu.memory_space<vmem_shared>> -> memref<312x128xf32, #tpu.memory_space<vmem_shared>>
        tpu.enqueue_dma source(%dma_start3A_105 : memref<312x128xf32, #tpu.memory_space<vmem_shared>>) target(%dma_start3A_103 : memref<312x128xf32, #tpu.memory_space<hbm>>) target_semaphore(%run_scoped3A : memref<!tpu.dma_semaphore, #tpu.memory_space<semaphore_mem>>)
        %dma_wait3A_106 = arith.constant 0 : i32
        %dma_wait3A_107 = tpu.memref_slice %arg4[%arg0, %mul3A_100, %dma_wait3A_106] : memref<2x5008x128xf32, #tpu.memory_space<hbm>> -> memref<1x312x128xf32, #tpu.memory_space<hbm>>
        %dma_wait3A_108 = tpu.memref_squeeze %dma_wait3A_107 : memref<1x312x128xf32, #tpu.memory_space<hbm>> -> memref<312x128xf32, #tpu.memory_space<hbm>>
        %dma_wait3A_109 = arith.constant 0 : i32
        %dma_wait3A_110 = tpu.memref_slice %arg16[%mul3A_98, %dma_wait3A_109] : memref<5008x128xf32, #tpu.memory_space<vmem_shared>> -> memref<312x128xf32, #tpu.memory_space<vmem_shared>>
        tpu.wait_dma2 semaphore(%run_scoped3A : memref<!tpu.dma_semaphore, #tpu.memory_space<semaphore_mem>>) src(%dma_wait3A_110 : memref<312x128xf32, #tpu.memory_space<vmem_shared>>) dst(%dma_wait3A_108 : memref<312x128xf32, #tpu.memory_space<hbm>>)
        tpu.yield
      }) : () -> ()
    } else {
    }
    %eq3A_92 = arith.constant 15 : i32
    %eq3A_93 = arith.cmpi eq, %arg1, %eq3A_92 : i32
    %convert_element_type3A_94 = arith.extui %eq3A_93 : i1 to i32
    %cond3A_95 = arith.constant 0 : i32
    %cond3A_96 = arith.cmpi ne, %convert_element_type3A_94, %cond3A_95 : i32
    scf.if %cond3A_96 {
      "tpu.region"() ({
        %run_scoped3A = tpu.sem_alloc : memref<!tpu.dma_semaphore, #tpu.memory_space<semaphore_mem>>
        %dma_start3A_97 = arith.constant 4680 : i32
        %dma_start3A_98 = arith.constant 0 : i32
        %dma_start3A_99 = tpu.memref_slice %arg4[%arg0, %dma_start3A_97, %dma_start3A_98] : memref<2x5008x128xf32, #tpu.memory_space<hbm>> -> memref<1x328x128xf32, #tpu.memory_space<hbm>>
        %dma_start3A_100 = tpu.memref_squeeze %dma_start3A_99 : memref<1x328x128xf32, #tpu.memory_space<hbm>> -> memref<328x128xf32, #tpu.memory_space<hbm>>
        %dma_start3A_101 = arith.constant 4680 : i32
        %dma_start3A_102 = arith.constant 0 : i32
        %dma_start3A_103 = tpu.memref_slice %arg16[%dma_start3A_101, %dma_start3A_102] : memref<5008x128xf32, #tpu.memory_space<vmem_shared>> -> memref<328x128xf32, #tpu.memory_space<vmem_shared>>
        tpu.enqueue_dma source(%dma_start3A_103 : memref<328x128xf32, #tpu.memory_space<vmem_shared>>) target(%dma_start3A_100 : memref<328x128xf32, #tpu.memory_space<hbm>>) target_semaphore(%run_scoped3A : memref<!tpu.dma_semaphore, #tpu.memory_space<semaphore_mem>>)
        %dma_wait3A_104 = arith.constant 4680 : i32
        %dma_wait3A_105 = arith.constant 0 : i32
        %dma_wait3A_106 = tpu.memref_slice %arg4[%arg0, %dma_wait3A_104, %dma_wait3A_105] : memref<2x5008x128xf32, #tpu.memory_space<hbm>> -> memref<1x328x128xf32, #tpu.memory_space<hbm>>
        %dma_wait3A_107 = tpu.memref_squeeze %dma_wait3A_106 : memref<1x328x128xf32, #tpu.memory_space<hbm>> -> memref<328x128xf32, #tpu.memory_space<hbm>>
        %dma_wait3A_108 = arith.constant 4680 : i32
        %dma_wait3A_109 = arith.constant 0 : i32
        %dma_wait3A_110 = tpu.memref_slice %arg16[%dma_wait3A_108, %dma_wait3A_109] : memref<5008x128xf32, #tpu.memory_space<vmem_shared>> -> memref<328x128xf32, #tpu.memory_space<vmem_shared>>
        tpu.wait_dma2 semaphore(%run_scoped3A : memref<!tpu.dma_semaphore, #tpu.memory_space<semaphore_mem>>) src(%dma_wait3A_110 : memref<328x128xf32, #tpu.memory_space<vmem_shared>>) dst(%dma_wait3A_107 : memref<328x128xf32, #tpu.memory_space<hbm>>)
        tpu.yield
      }) : () -> ()
    } else {
    }
    return
  }
}

module attributes {stable_mosaic.version = 14 : i64} {
  func.func @_mlp_body(%arg0: i32, %arg1: memref<2560x128xf32, #tpu.memory_space<vmem>>, %arg2: memref<2560x128xf32, #tpu.memory_space<vmem>>, %arg3: memref<2560x2xf32, #tpu.memory_space<vmem>>, %arg4: memref<1x128xf32, #tpu.memory_space<vmem>>, %arg5: memref<1x128xf32, #tpu.memory_space<vmem>>, %arg6: memref<128x64xf32, #tpu.memory_space<vmem>>, %arg7: memref<1x128xf32, #tpu.memory_space<vmem>>, %arg8: memref<1x128xf32, #tpu.memory_space<vmem>>, %arg9: memref<128x64xf32, #tpu.memory_space<vmem>>, %arg10: memref<1x64xf32, #tpu.memory_space<vmem>>, %arg11: memref<1x64xf32, #tpu.memory_space<vmem>>, %arg12: memref<1x64xf32, #tpu.memory_space<vmem>>, %arg13: memref<64x64xf32, #tpu.memory_space<vmem>>, %arg14: memref<1x64xf32, #tpu.memory_space<vmem>>, %arg15: memref<2560x128xf32, #tpu.memory_space<vmem>>) attributes {dimension_semantics = [#tpu.dimension_semantics<arbitrary>], iteration_bounds = array<i64: 125>, scalar_prefetch = 0 : i64, scratch_operands = 0 : i64, tpu.core_type = #tpu.core_type<tc>, window_params = [{transform_indices = @transform_0, window_bounds = array<i64: 2560, 128>}, {transform_indices = @transform_1, window_bounds = array<i64: 2560, 128>}, {transform_indices = @transform_2, window_bounds = array<i64: 2560, 2>}, {pipeline_mode = #tpu.pipeline_mode<synchronous>, transform_indices = @transform_3, window_bounds = array<i64: 1, 128>}, {pipeline_mode = #tpu.pipeline_mode<synchronous>, transform_indices = @transform_4, window_bounds = array<i64: 1, 128>}, {pipeline_mode = #tpu.pipeline_mode<synchronous>, transform_indices = @transform_5, window_bounds = array<i64: 128, 64>}, {pipeline_mode = #tpu.pipeline_mode<synchronous>, transform_indices = @transform_6, window_bounds = array<i64: 1, 128>}, {pipeline_mode = #tpu.pipeline_mode<synchronous>, transform_indices = @transform_7, window_bounds = array<i64: 1, 128>}, {pipeline_mode = #tpu.pipeline_mode<synchronous>, transform_indices = @transform_8, window_bounds = array<i64: 128, 64>}, {pipeline_mode = #tpu.pipeline_mode<synchronous>, transform_indices = @transform_9, window_bounds = array<i64: 1, 64>}, {pipeline_mode = #tpu.pipeline_mode<synchronous>, transform_indices = @transform_10, window_bounds = array<i64: 1, 64>}, {pipeline_mode = #tpu.pipeline_mode<synchronous>, transform_indices = @transform_11, window_bounds = array<i64: 1, 64>}, {pipeline_mode = #tpu.pipeline_mode<synchronous>, transform_indices = @transform_12, window_bounds = array<i64: 64, 64>}, {pipeline_mode = #tpu.pipeline_mode<synchronous>, transform_indices = @transform_13, window_bounds = array<i64: 1, 64>}, {transform_indices = @transform_14, window_bounds = array<i64: 2560, 128>}]} {
    %get3A = arith.constant 0 : index
    %get3A_0 = arith.constant 0 : index
    %get3A_1 = vector.load %arg2[%get3A, %get3A_0] : memref<2560x128xf32, #tpu.memory_space<vmem>>, vector<2560x128xf32>
    %get3A_2 = arith.constant 0 : index
    %get3A_3 = arith.constant 0 : index
    %get3A_4 = vector.load %arg1[%get3A_2, %get3A_3] : memref<2560x128xf32, #tpu.memory_space<vmem>>, vector<2560x128xf32>
    %get3A_5 = arith.constant 0 : index
    %get3A_6 = arith.constant 0 : index
    %get3A_7 = vector.load %arg4[%get3A_5, %get3A_6] : memref<1x128xf32, #tpu.memory_space<vmem>>, vector<1x128xf32>
    %mul3A = vector.broadcast %get3A_7 : vector<1x128xf32> to vector<2560x128xf32>
    %mul3A_8 = arith.mulf %get3A_1, %mul3A : vector<2560x128xf32>
    %get3A_9 = arith.constant 0 : index
    %get3A_10 = arith.constant 0 : index
    %get3A_11 = vector.load %arg5[%get3A_9, %get3A_10] : memref<1x128xf32, #tpu.memory_space<vmem>>, vector<1x128xf32>
    %add3A = vector.broadcast %get3A_11 : vector<1x128xf32> to vector<2560x128xf32>
    %add3A_12 = arith.addf %mul3A_8, %add3A : vector<2560x128xf32>
    %mul3A_13 = arith.constant 0.00999999977 : f32
    %mul3A_14 = vector.broadcast %mul3A_13 : f32 to vector<2560x128xf32>
    %mul3A_15 = arith.mulf %mul3A_14, %add3A_12 : vector<2560x128xf32>
    %max3A = arith.maximumf %add3A_12, %mul3A_15 : vector<2560x128xf32>
    %get3A_16 = arith.constant 0 : index
    %get3A_17 = arith.constant 0 : index
    %get3A_18 = vector.load %arg6[%get3A_16, %get3A_17] : memref<128x64xf32, #tpu.memory_space<vmem>>, vector<128x64xf32>
    %dot_general3A = arith.constant dense<0.000000e+00> : vector<2560x64xf32>
    %dot_general3A_19 = tpu.matmul %max3A, %get3A_18, %dot_general3A {dimension_numbers = #tpu.dot_dimension_numbers<[1], [0], [0], [1], [0, 0, 1, 1], [], []>, transpose_lhs_hint = false} : vector<2560x128xf32>, vector<128x64xf32>, vector<2560x64xf32> -> vector<2560x64xf32>
    %sub3A = arith.subf %get3A_4, %get3A_1 : vector<2560x128xf32>
    %get3A_20 = arith.constant 0 : index
    %get3A_21 = arith.constant 0 : index
    %get3A_22 = vector.load %arg7[%get3A_20, %get3A_21] : memref<1x128xf32, #tpu.memory_space<vmem>>, vector<1x128xf32>
    %mul3A_23 = vector.broadcast %get3A_22 : vector<1x128xf32> to vector<2560x128xf32>
    %mul3A_24 = arith.mulf %sub3A, %mul3A_23 : vector<2560x128xf32>
    %get3A_25 = arith.constant 0 : index
    %get3A_26 = arith.constant 0 : index
    %get3A_27 = vector.load %arg8[%get3A_25, %get3A_26] : memref<1x128xf32, #tpu.memory_space<vmem>>, vector<1x128xf32>
    %add3A_28 = vector.broadcast %get3A_27 : vector<1x128xf32> to vector<2560x128xf32>
    %add3A_29 = arith.addf %mul3A_24, %add3A_28 : vector<2560x128xf32>
    %mul3A_30 = arith.constant 0.00999999977 : f32
    %mul3A_31 = vector.broadcast %mul3A_30 : f32 to vector<2560x128xf32>
    %mul3A_32 = arith.mulf %mul3A_31, %add3A_29 : vector<2560x128xf32>
    %max3A_33 = arith.maximumf %add3A_29, %mul3A_32 : vector<2560x128xf32>
    %get3A_34 = arith.constant 0 : index
    %get3A_35 = arith.constant 0 : index
    %get3A_36 = vector.load %arg9[%get3A_34, %get3A_35] : memref<128x64xf32, #tpu.memory_space<vmem>>, vector<128x64xf32>
    %dot_general3A_37 = arith.constant dense<0.000000e+00> : vector<2560x64xf32>
    %dot_general3A_38 = tpu.matmul %max3A_33, %get3A_36, %dot_general3A_37 {dimension_numbers = #tpu.dot_dimension_numbers<[1], [0], [0], [1], [0, 0, 1, 1], [], []>, transpose_lhs_hint = false} : vector<2560x128xf32>, vector<128x64xf32>, vector<2560x64xf32> -> vector<2560x64xf32>
    %add3A_39 = arith.addf %dot_general3A_19, %dot_general3A_38 : vector<2560x64xf32>
    %get3A_40 = arith.constant 0 : index
    %get3A_41 = arith.constant 0 : index
    %get3A_42 = vector.load %arg10[%get3A_40, %get3A_41] : memref<1x64xf32, #tpu.memory_space<vmem>>, vector<1x64xf32>
    %add3A_43 = vector.broadcast %get3A_42 : vector<1x64xf32> to vector<2560x64xf32>
    %add3A_44 = arith.addf %add3A_39, %add3A_43 : vector<2560x64xf32>
    %get3A_45 = arith.constant 0 : index
    %get3A_46 = arith.constant 0 : index
    %get3A_47 = vector.load %arg11[%get3A_45, %get3A_46] : memref<1x64xf32, #tpu.memory_space<vmem>>, vector<1x64xf32>
    %mul3A_48 = vector.broadcast %get3A_47 : vector<1x64xf32> to vector<2560x64xf32>
    %mul3A_49 = arith.mulf %add3A_44, %mul3A_48 : vector<2560x64xf32>
    %get3A_50 = arith.constant 0 : index
    %get3A_51 = arith.constant 0 : index
    %get3A_52 = vector.load %arg12[%get3A_50, %get3A_51] : memref<1x64xf32, #tpu.memory_space<vmem>>, vector<1x64xf32>
    %add3A_53 = vector.broadcast %get3A_52 : vector<1x64xf32> to vector<2560x64xf32>
    %add3A_54 = arith.addf %mul3A_49, %add3A_53 : vector<2560x64xf32>
    %mul3A_55 = arith.constant 0.00999999977 : f32
    %mul3A_56 = vector.broadcast %mul3A_55 : f32 to vector<2560x64xf32>
    %mul3A_57 = arith.mulf %mul3A_56, %add3A_54 : vector<2560x64xf32>
    %max3A_58 = arith.maximumf %add3A_54, %mul3A_57 : vector<2560x64xf32>
    %get3A_59 = arith.constant 0 : index
    %get3A_60 = arith.constant 0 : index
    %get3A_61 = vector.load %arg13[%get3A_59, %get3A_60] : memref<64x64xf32, #tpu.memory_space<vmem>>, vector<64x64xf32>
    %dot_general3A_62 = arith.constant dense<0.000000e+00> : vector<2560x64xf32>
    %dot_general3A_63 = tpu.matmul %max3A_58, %get3A_61, %dot_general3A_62 {dimension_numbers = #tpu.dot_dimension_numbers<[1], [0], [0], [1], [0, 0, 1, 1], [], []>, transpose_lhs_hint = false} : vector<2560x64xf32>, vector<64x64xf32>, vector<2560x64xf32> -> vector<2560x64xf32>
    %get3A_64 = arith.constant 0 : index
    %get3A_65 = arith.constant 0 : index
    %get3A_66 = vector.load %arg14[%get3A_64, %get3A_65] : memref<1x64xf32, #tpu.memory_space<vmem>>, vector<1x64xf32>
    %add3A_67 = vector.broadcast %get3A_66 : vector<1x64xf32> to vector<2560x64xf32>
    %add3A_68 = arith.addf %dot_general3A_63, %add3A_67 : vector<2560x64xf32>
    %get3A_69 = arith.constant 0 : index
    %get3A_70 = arith.constant 0 : index
    %get3A_71 = vector.load %arg3[%get3A_69, %get3A_70] : memref<2560x2xf32, #tpu.memory_space<vmem>>, vector<2560x1xf32>
    %mul3A_72 = vector.broadcast %get3A_71 : vector<2560x1xf32> to vector<2560x64xf32>
    %mul3A_73 = arith.mulf %add3A_68, %mul3A_72 : vector<2560x64xf32>
    %swap3A = arith.constant 0 : index
    %swap3A_74 = arith.constant 0 : index
    %swap3A_75 = vector.load %arg15[%swap3A, %swap3A_74] : memref<2560x128xf32, #tpu.memory_space<vmem>>, vector<2560x64xf32>
    tpu.vector_store %arg15[%swap3A, %swap3A_74], %mul3A_73 {strides = array<i32>} : memref<2560x128xf32, #tpu.memory_space<vmem>>, vector<2560x64xf32>,
    %get3A_76 = arith.constant 0 : index
    %get3A_77 = arith.constant 1 : index
    %get3A_78 = vector.load %arg3[%get3A_76, %get3A_77] : memref<2560x2xf32, #tpu.memory_space<vmem>>, vector<2560x1xf32>
    %mul3A_79 = vector.broadcast %get3A_78 : vector<2560x1xf32> to vector<2560x64xf32>
    %mul3A_80 = arith.mulf %add3A_68, %mul3A_79 : vector<2560x64xf32>
    %swap3A_81 = arith.constant 0 : index
    %swap3A_82 = arith.constant 64 : index
    %swap3A_83 = vector.load %arg15[%swap3A_81, %swap3A_82] : memref<2560x128xf32, #tpu.memory_space<vmem>>, vector<2560x64xf32>
    tpu.vector_store %arg15[%swap3A_81, %swap3A_82], %mul3A_80 {strides = array<i32>} : memref<2560x128xf32, #tpu.memory_space<vmem>>, vector<2560x64xf32>,
    return
  }
  func.func @transform_0(%arg0: i32) -> (i32, i32) {
    %c0_i32 = arith.constant 0 : i32
    %c0_i32_0 = arith.constant 0 : i32
    return %arg0, %c0_i32 : i32, i32
  }
  func.func @transform_1(%arg0: i32) -> (i32, i32) {
    %c0_i32 = arith.constant 0 : i32
    %c0_i32_0 = arith.constant 0 : i32
    return %arg0, %c0_i32 : i32, i32
  }
  func.func @transform_2(%arg0: i32) -> (i32, i32) {
    %c0_i32 = arith.constant 0 : i32
    %c0_i32_0 = arith.constant 0 : i32
    return %arg0, %c0_i32 : i32, i32
  }
  func.func @transform_3(%arg0: i32) -> (i32, i32) {
    %c0_i32 = arith.constant 0 : i32
    %c0_i32_0 = arith.constant 0 : i32
    %c0_i32_1 = arith.constant 0 : i32
    return %c0_i32, %c0_i32_0 : i32, i32
  }
  func.func @transform_4(%arg0: i32) -> (i32, i32) {
    %c0_i32 = arith.constant 0 : i32
    %c0_i32_0 = arith.constant 0 : i32
    %c0_i32_1 = arith.constant 0 : i32
    return %c0_i32, %c0_i32_0 : i32, i32
  }
  func.func @transform_5(%arg0: i32) -> (i32, i32) {
    %c0_i32 = arith.constant 0 : i32
    %c0_i32_0 = arith.constant 0 : i32
    %c0_i32_1 = arith.constant 0 : i32
    return %c0_i32, %c0_i32_0 : i32, i32
  }
  func.func @transform_6(%arg0: i32) -> (i32, i32) {
    %c0_i32 = arith.constant 0 : i32
    %c0_i32_0 = arith.constant 0 : i32
    %c0_i32_1 = arith.constant 0 : i32
    return %c0_i32, %c0_i32_0 : i32, i32
  }
  func.func @transform_7(%arg0: i32) -> (i32, i32) {
    %c0_i32 = arith.constant 0 : i32
    %c0_i32_0 = arith.constant 0 : i32
    %c0_i32_1 = arith.constant 0 : i32
    return %c0_i32, %c0_i32_0 : i32, i32
  }
  func.func @transform_8(%arg0: i32) -> (i32, i32) {
    %c0_i32 = arith.constant 0 : i32
    %c0_i32_0 = arith.constant 0 : i32
    %c0_i32_1 = arith.constant 0 : i32
    return %c0_i32, %c0_i32_0 : i32, i32
  }
  func.func @transform_9(%arg0: i32) -> (i32, i32) {
    %c0_i32 = arith.constant 0 : i32
    %c0_i32_0 = arith.constant 0 : i32
    %c0_i32_1 = arith.constant 0 : i32
    return %c0_i32, %c0_i32_0 : i32, i32
  }
  func.func @transform_10(%arg0: i32) -> (i32, i32) {
    %c0_i32 = arith.constant 0 : i32
    %c0_i32_0 = arith.constant 0 : i32
    %c0_i32_1 = arith.constant 0 : i32
    return %c0_i32, %c0_i32_0 : i32, i32
  }
  func.func @transform_11(%arg0: i32) -> (i32, i32) {
    %c0_i32 = arith.constant 0 : i32
    %c0_i32_0 = arith.constant 0 : i32
    %c0_i32_1 = arith.constant 0 : i32
    return %c0_i32, %c0_i32_0 : i32, i32
  }
  func.func @transform_12(%arg0: i32) -> (i32, i32) {
    %c0_i32 = arith.constant 0 : i32
    %c0_i32_0 = arith.constant 0 : i32
    %c0_i32_1 = arith.constant 0 : i32
    return %c0_i32, %c0_i32_0 : i32, i32
  }
  func.func @transform_13(%arg0: i32) -> (i32, i32) {
    %c0_i32 = arith.constant 0 : i32
    %c0_i32_0 = arith.constant 0 : i32
    %c0_i32_1 = arith.constant 0 : i32
    return %c0_i32, %c0_i32_0 : i32, i32
  }
  func.func @transform_14(%arg0: i32) -> (i32, i32) {
    %c0_i32 = arith.constant 0 : i32
    %c0_i32_0 = arith.constant 0 : i32
    return %arg0, %c0_i32 : i32, i32
  }
}

module attributes {stable_mosaic.version = 14 : i64} {
  func.func @_combine_body(%arg0: i32, %arg1: memref<2x2504x128xf32, #tpu.memory_space<vmem>>, %arg2: memref<2504x128xf32, #tpu.memory_space<vmem>>) attributes {dimension_semantics = [#tpu.dimension_semantics<arbitrary>], iteration_bounds = array<i64: 2>, scalar_prefetch = 0 : i64, scratch_operands = 0 : i64, tpu.core_type = #tpu.core_type<tc>, window_params = [{transform_indices = @transform_0, window_bounds = array<i64: 2, 2504, 128>}, {transform_indices = @transform_1, window_bounds = array<i64: 2504, 128>}]} {
    %get3A = arith.constant 0 : index
    %get3A_0 = arith.constant 0 : index
    %get3A_1 = arith.constant 0 : index
    %get3A_2 = vector.load %arg1[%get3A, %get3A_0, %get3A_1] : memref<2x2504x128xf32, #tpu.memory_space<vmem>>, vector<1x2504x128xf32>
    %get3A_3 = vector.shape_cast %get3A_2 : vector<1x2504x128xf32> to vector<2504x128xf32>
    %get3A_4 = arith.constant 1 : index
    %get3A_5 = arith.constant 0 : index
    %get3A_6 = arith.constant 0 : index
    %get3A_7 = vector.load %arg1[%get3A_4, %get3A_5, %get3A_6] : memref<2x2504x128xf32, #tpu.memory_space<vmem>>, vector<1x2504x128xf32>
    %get3A_8 = vector.shape_cast %get3A_7 : vector<1x2504x128xf32> to vector<2504x128xf32>
    %add3A = arith.addf %get3A_3, %get3A_8 : vector<2504x128xf32>
    %swap3A = arith.constant 0 : index
    %swap3A_9 = arith.constant 0 : index
    %swap3A_10 = vector.load %arg2[%swap3A, %swap3A_9] : memref<2504x128xf32, #tpu.memory_space<vmem>>, vector<2504x128xf32>
    tpu.vector_store %arg2[%swap3A, %swap3A_9], %add3A {strides = array<i32>} : memref<2504x128xf32, #tpu.memory_space<vmem>>, vector<2504x128xf32>,
    return
  }
  func.func @transform_0(%arg0: i32) -> (i32, i32, i32) {
    %c0_i32 = arith.constant 0 : i32
    %c0_i32_0 = arith.constant 0 : i32
    %c0_i32_1 = arith.constant 0 : i32
    return %c0_i32, %arg0, %c0_i32_0 : i32, i32, i32
  }
  func.func @transform_1(%arg0: i32) -> (i32, i32) {
    %c0_i32 = arith.constant 0 : i32
    %c0_i32_0 = arith.constant 0 : i32
    return %arg0, %c0_i32 : i32, i32
  }
}

</mosaic_0001>

<sc_bundles>
// kernel: kernel.6.cloned.1.call-start
scs
__scs_entry_jumppad:
0x0: {  	(pc) =	sbr.rel $0x88, $3  }
0x1: {  	(tag) =	ssettag $0x0;
	lr =	simm.s32 $0x1  }
0x2: {  	[smem:$0x3F96] =	sst lr;
	_ =	strace $0xD0000000  }
0x3: {  	_ = 	snop  }
0x4: {  	_ = 	snop  }
0x5: {  	_ = 	snop  }
0x6: {  	_ = 	snop  }
0x7: {  	_ = 	snop  }
__scs_overlays_trampoline_lowered:
0x8: {  	[smem:$0x3FA5] =	sst s0  }
0x9: {  	[smem:$0x3FA6] =	sst s1  }
0xa: {  	[smem:$0x3FA7] =	sst s2  }
0xb: {  	[smem:$0x3FA8] =	sst s3  }
0xc: {  	[smem:$0x3FA9] =	sst s4  }
0xd: {  	[smem:$0x3FAA] =	sst s5  }
0xe: {  	[smem:$0x3FAB] =	sst s6  }
0xf: {  	[smem:$0x3FAC] =	sst s7  }
0x10: {  	[smem:$0x3FAD] =	sst s8  }
0x11: {  	[smem:$0x3FAE] =	sst s9;
	s0 =	simm.s32 @!p0 $0x0  }
0x12: {  	s1 =	sld [smem:$0x3F94];
	s0 =	simm.s32 @p0 $0x1  }
0x13: {  	[smem:$0x3FAF] =	sst s0;
	s0 =	simm.s32 @!p1 $0x0  }
0x14: {  	s2 =	sld [smem:$0x3F93];
	s0 =	simm.s32 @p1 $0x1  }
0x15: {  	[smem:$0x3FB0] =	sst s0;
	s0 =	simm.s32 @!p2 $0x0  }
0x16: {  	s3 =	sld [smem:$0x3FDB];
	s0 =	simm.s32 @p2 $0x1  }
0x17: {  	s4 =	simm.s32 $0x1BF5;
	[smem:$0x3FB2] =	sst s0  }
0x18: {  	s0 =	sld [smem:$0x3F95];
	_ =	swait.ge [sflag:s4], $0x0  }
0x19: {  	s7 =	sld [smem:$0x3F96]  }
0x1a: {  	s8 =	sadd.s32 $0xFFFFE003, lr  }
0x1b: {  	s9 =	sadd.s32 $0xFFFFFEF7, lr;
	s5 =	simm.s32 $0xFFFFFFFF;
	p2 =	slt.u32 s8, $0xFFFFF086  }
0x1c: {  	p1 =	slt.u32 s9, $0xF7A;
	s5 =	simm.s32 @!p2 $0x0  }
0x1d: {  	s5 =	simm.s32 @p1 $0x1;
	p0 =	seq.s32 s7, s2  }
0x1e: {  	s7 =	smul.u32 @!p0 $0xF7A, s2;
	p2 =	seq.s32 @!p0 s5, $0x0  }
0x1f: {  	s9 =	smul.u32 $0xF7A, s1;
	s8 =	simm.s32 @!p0 $0x1BF5;
	p2 =	por !p2, p0  }
0x20: {  	[sflag:s8] =	ssyncset.s32 @!p0 $0xFFFFF086;
	s6 =	sadd.s32 @!p0 s3, s7;
	s7 =	simm.s32 @!p0 $0x108  }
0x21: {  	s3 =	sadd.s32 s3, s9;
	s6 =	sadd.s32 @!p0 $0x88, s6;
	s7 =	simm.s32 @p2 $0x1082  }
0x22: {  	[simem:s7], [sflag:s8] =	dma.local @!p0 [hbm:s6], $0xF7A  }
0x23: {  	s9 =	sor.u32 $0xD0000000, s2;
	s6 =	simm.s32 $0x108;
	_ =	swait.ge @!p0 [sflag:s8], $0x0  }
0x24: {  	s3 =	sadd.s32 $0x88, s3;
	s6 =	simm.s32 @!p1 $0x1082;
	[sflag:s4] =	ssyncset.s32 $0xFFFFF086  }
0x25: {  	[simem:s6], [sflag:s4] =	dma.local [hbm:s3], $0xF7A  }
0x26: {  	[smem:$0x3F96] =	sst s1;
	(tag) =	ssettag s2;
	_ =	strace s9  }
0x27: {  	s1 =	sld [smem:$0x3FA6]  }
0x28: {  	s2 =	sld [smem:$0x3FA7]  }
0x29: {  	s4 =	sld [smem:$0x3FA9]  }
0x2a: {  	p0 =	seq.s32 s5, $0x0;
	s5 =	sld [smem:$0x3FAA]  }
0x2b: {  	s6 =	sld [smem:$0x3FAB]  }
0x2c: {  	s7 =	sld [smem:$0x3FAC]  }
0x2d: {  	s3 =	simm.s32 $0x108;
	s8 =	sld [smem:$0x3FAD]  }
0x2e: {  	s3 =	simm.s32 @!p0 $0x1082;
	s9 =	sld [smem:$0x3FAE]  }
0x2f: {  	lr =	sadd.s32 s0, s3;
	s0 =	sld [smem:$0x3FA5]  }
0x30: {  	s3 =	sld [smem:$0x3FA8]  }
0x31: {  	[smem:$0x3FB1] =	sst s10  }
0x32: {  	s10 =	sld [smem:$0x3FAF];
	_ =	sdelay $0x3  }
0x33: {  	p0 =	seq.s32 s10, $0x1;
	s10 =	sld [smem:$0x3FB1];
	_ =	sdelay $0x3  }
0x34: {  	[smem:$0x3FB1] =	sst s10  }
0x35: {  	s10 =	sld [smem:$0x3FB0];
	_ =	sdelay $0x3  }
0x36: {  	p1 =	seq.s32 s10, $0x1;
	s10 =	sld [smem:$0x3FB1];
	_ =	sdelay $0x3  }
0x37: {  	[smem:$0x3FB1] =	sst s10  }
0x38: {  	s10 =	sld [smem:$0x3FB2]  }
0x39: {  	_ = 	snop;
	(pc) =	sbr.ind lr, $3  }
0x3a: {  	_ = 	snop  }
0x3b: {  	_ = 	snop  }
0x3c: {  	p2 =	seq.s32 s10, $0x1;
	s10 =	sld [smem:$0x3FB1]  }
0x3d: {  	_ =	shalt  }
0x3e: {  	_ =	shalt  }
0x3f: {  	_ =	shalt  }
0x40: {  	_ =	shalt  }
0x41: {  	_ =	shalt  }
0x42: {  	_ =	shalt  }
0x43: {  	_ =	shalt  }
0x44: {  	_ =	shalt  }
0x45: {  	_ =	shalt  }
0x46: {  	_ =	shalt  }
0x47: {  	_ =	shalt  }
0x48: {  	_ =	shalt  }
0x49: {  	_ =	shalt  }
0x4a: {  	_ =	shalt  }
0x4b: {  	_ =	shalt  }
0x4c: {  	_ =	shalt  }
0x4d: {  	_ =	shalt  }
0x4e: {  	_ =	shalt  }
0x4f: {  	_ =	shalt  }
0x50: {  	_ =	shalt  }
0x51: {  	_ =	shalt  }
0x52: {  	_ =	shalt  }
0x53: {  	_ =	shalt  }
0x54: {  	_ =	shalt  }
0x55: {  	_ =	shalt  }
0x56: {  	_ =	shalt  }
0x57: {  	_ =	shalt  }
0x58: {  	_ =	shalt  }
0x59: {  	_ =	shalt  }
0x5a: {  	_ =	shalt  }
0x5b: {  	_ =	shalt  }
0x5c: {  	_ =	shalt  }
0x5d: {  	_ =	shalt  }
0x5e: {  	_ =	shalt  }
0x5f: {  	_ =	shalt  }
0x60: {  	_ =	shalt  }
0x61: {  	_ =	shalt  }
0x62: {  	_ =	shalt  }
0x63: {  	_ =	shalt  }
0x64: {  	_ =	shalt  }
0x65: {  	_ =	shalt  }
0x66: {  	_ =	shalt  }
0x67: {  	_ =	shalt  }
0x68: {  	_ =	shalt  }
0x69: {  	_ =	shalt  }
0x6a: {  	_ =	shalt  }
0x6b: {  	_ =	shalt  }
0x6c: {  	_ =	shalt  }
0x6d: {  	_ =	shalt  }
0x6e: {  	_ =	shalt  }
0x6f: {  	_ =	shalt  }
0x70: {  	_ =	shalt  }
0x71: {  	_ =	shalt  }
0x72: {  	_ =	shalt  }
0x73: {  	_ =	shalt  }
0x74: {  	_ =	shalt  }
0x75: {  	_ =	shalt  }
0x76: {  	_ =	shalt  }
0x77: {  	_ =	shalt  }
0x78: {  	_ =	shalt  }
0x79: {  	_ =	shalt  }
0x7a: {  	_ =	shalt  }
0x7b: {  	_ =	shalt  }
0x7c: {  	_ =	shalt  }
0x7d: {  	_ =	shalt  }
0x7e: {  	_ =	shalt  }
0x7f: {  	_ =	shalt  }
0x80: {  	_ =	shalt  }
0x81: {  	_ =	shalt  }
0x82: {  	_ =	shalt  }
0x83: {  	_ =	shalt  }
0x84: {  	_ =	shalt  }
0x85: {  	_ =	shalt  }
0x86: {  	_ =	shalt  }
0x87: {  	_ =	shalt  }
.Lfunc_end0:
.L_simem_size_0:
called_computation_lowered:
.L_overlay_start_0:
0x88: {  	s2 =	sld [smem:$0x3FD9]  }
0x89: {  	s3 =	sld [smem:$0x3FFE];
	_ =	sdelay $0x1  }
0x8a: {  	s1 =	srdreg.scid  }
0x8b: {  	s0 =	sand.u32 $0x1, s1  }
0x8c: {  	s17 =	sshll.u32 s0, $0xA;
	s2 =	sadd.s32 s3, s2  }
0x8d: {  	s2 =	sadd.s32 s2, s17  }
0x8e: {  	[smem:$0x3FBD] =	sst s2  }
0x8f: {  	_ = 	snop  }
0x90: {  	s2 =	sld [smem:$0x3FC9]  }
0x91: {  	s18 =	sld [smem:$0x3FD0];
	(tm) =	ssettm $0x1  }
0x92: {  	s4 =	sld [smem:$0x3FFB];
	_ =	sdelay $0x3  }
0x93: {  	_ =	strace s4  }
0x94: {  	s4 =	sld [smem:$0x3FFC];
	_ =	sdelay $0x3  }
0x95: {  	_ =	strace s4  }
0x96: {  	s4 =	sld [smem:$0x3FFD];
	_ =	sdelay $0x3  }
0x97: {  	_ =	strace s4  }
0x98: {  	_ =	strace $0x8FFFFFFF  }
0x99: {  	s19 =	sld [smem:$0x3FDB];
	_ =	sdelay $0x1  }
0x9a: {  	s5 =	simm.s32 $_scs_section_size  }
0x9b: {  	s6 =	simm.s32 $_size__tile_overlayer_lowered;
	s7 =	simm.s32 $_tile_overlayer_lowered  }
0x9c: {  	s22 =	simm.s32 $0x1BFF;
	s21 =	sshll.u32 s7, $0x1;
	s4 =	sadd.s32 s5, s19  }
0x9d: {  	s8 =	simm.s32 $0x0;
	s20 =	sshll.u32 s6, $0x1;
	s6 =	sadd.s32 s21, s4  }
0x9e: {  	[timem:s8], [sflag:s22] =	dma.local [hbm:s6], s20  }
0x9f: {  	_ =	swait.ge [sflag:s22], s20  }
0xa0: {  	s5 =	ssub.s32 $0x0, s20;
	[sflag:s22] =	ssyncset.done $0x0  }
0xa1: {  	[sflag:s22] =	ssyncadd.s32 s5;
	_ =	sdelay $0x1  }
0xa2: {  	s23 =	simm.s32 $0x1B8B  }
0xa3: {  	_ =	swait.ge [sflag:s23], $0x1  }
0xa4: {  	[sflag:s23] =	ssyncset.done $0x0  }
0xa5: {  	s25 =	simm.s32 $0x1B8E;
	s24 =	sld [smem:$0x3FFE];
	[sflag:s23] =	ssyncadd.s32 $0xFFFFFFFF  }
0xa6: {  	s26 =	simm.s32 $execute0_lowered;
	[smem:$0x3FD2] =	sst s25  }
0xa7: {  	s6 =	sshll.u32 s26, $0x1;
	_ =	strace $0x80000046;
	[dreg:$0x1] =	wrdreg $0xFFFFFFFF  }
0xa8: {  	s28 =	simm.s32 $_size_execute0_lowered;
	s4 =	sadd.s32 s4, s6;
	[dreg:$0x0] =	wrdreg $0x0  }
0xa9: {  	s6 =	sshll.u32 s28, $0x1;
	[dreg:$0x2] =	wrdreg s4  }
0xaa: {  	[dreg:$0x3] =	wrdreg s6  }
0xab: {  	[dreg:$0x4] =	wrdreg $0xC0  }
0xac: {  	_ =	task [dreg:s8], $0x5FFFF  }
0xad: {  	[dreg:$0x1] =	wrdreg $0xFFFFFFFF  }
0xae: {  	[dreg:$0x0] =	wrdreg $0x60  }
0xaf: {  	[dreg:$0x2] =	wrdreg s24  }
0xb0: {  	[dreg:$0x3] =	wrdreg s18  }
0xb1: {  	[dreg:$0x4] =	wrdreg s2  }
0xb2: {  	[dreg:$0x5] =	wrdreg $0x9  }
0xb3: {  	_ =	task.clear_ibuf [dreg:s8], $0x6FFFF;
	_ =	strace $0x90000046  }
0xb4: {  	s29 =	simm.s32 $0x9;
	_ =	strace $0x80000048  }
0xb5: {  	_ =	swait.ge [sflag:s29], $0x1  }
0xb6: {  	[sflag:s29] =	ssyncadd.s32 $0xFFFFFFFF  }
0xb7: {  	_ =	strace $0x90000048  }
0xb8: {  	_ =	sfence  }
0xb9: {  	s30 =	sld [smem:$0x0];
	_ =	sdelay $0x2  }
0xba: {  	s31 =	sshll.u32 s1, $0xD;
	s1 =	sshrl.u32 s1, $0x2  }
0xbb: {  	s3 =	sand.u32 $0x4000, s31;
	s1 =	sadd.s32 s1, s30  }
0xbc: {  	s0 =	sor.u32 s3, s0;
	s1 =	sshll.u32 s1, $0x11  }
0xbd: {  	s0 =	sor.u32 s1, s0  }
0xbe: {  	s0 =	sadd.s32 $0x8F2B, s0  }
0xbf: {  	[sflag:s0] =	ssyncadd.remote.s32 $0x1  }
0xc0: {  	_ =	sfence.sel $0xFFFF  }
0xc1: {  	[dreg:$0x0] =	wrdreg $0xFFFFFFFF;
	(pc) =	sbr.abs _section_cstart, $3  }
0xc2: {  	[dreg:$0x1] =	wrdreg $0xFFFFFFFF  }
0xc3: {  	_ =	task.clear_ibuf [dreg:s8], $0x2FFFF;
	_ =	strace $0x9FFFFFFF  }
0xc4: {  	(tm) =	ssettm $0x7FFFFFFF  }
0xc5: {  	_ =	shalt  }
tec
execute0_lowered:
.L_overlay_start_1:
0x0: {  	(tag) =	ssettag $0x1  }
0x1: {  	s0 =	rddreg [dreg:$0x0]  }
0x2: {  	s1 =	rddreg [dreg:$0x1];
	s3 =	srdreg.scid  }
0x3: {  	s11 =	stileid.u32;
	s2 =	rddreg [dreg:$0x2];
	s14 =	simm.s32 $0xD  }
0x4: {  	s16 =	simm.s32 $0x50;
	s17 =	simm.s32 $0x8000;
	s18 =	simm.s32 $0xF800  }
0x5: {  	s28 =	simm.s32 $0x7;
	s29 =	simm.s32 $0xA;
	s30 =	simm.s32 $0x2  }
0x6: {  	s31 =	simm.s32 $0x5;
	s19 =	simm.s32 $0x3;
	s4 =	sand.u32 $0x1, s3  }
0x7: {  	s5 =	sshll.u32 s11, $0x1;
	s3 =	simm.s32 $0x0;
	s9 =	sadd.s32 $0x11A00, s0  }
0x8: {  	s24 =	smul.u32 $0x4E200, s11;
	s5 =	sor.u32 s4, s5;
	[smem:$0x7FF] =	sst s3  }
0x9: {  	s8 =	ssub.s32 $0x2, s4;
	s11 =	smul.u32 $0x27100, s4;
	s6 =	sshll.u32 s5, $0xB  }
0xa: {  	s5 =	smul.u32 $0x138800, s5;
	_ =	strace $0x80000047;
	s10 =	sshrl.u32 s8, $0x1  }
0xb: {  	s7 =	sadd.s32 s6, s0;
	s0 =	sadd.s32 $0x4F3A00, s0;
	s8 =	ssub.s32 s8, s10  }
0xc: {  	s1 =	sadd.s32 s1, s6;
	s6 =	simm.s32 $0x0;
	s5 =	sshrl.u32 s5, $0x3  }
0xd: {  	s7 =	sadd.s32 $0x1A00, s7;
	[dreg:$0x5] =	wrdreg s1;
	s26 =	smax.u32 s8, $0x1  }
0xe: {  	s8 =	sadd.s32 s24, s9;
	s20 =	sadd.s32 $0x26700, s5;
	[dreg:$0x4] =	wrdreg s7  }
0xf: {  	s23 =	sadd.s32 $0x26C00, s5;
	[dreg:$0xa] =	wrdreg s26;
	s21 =	sadd.s32 s9, s20  }
0x10: {  	s26 =	simm.s32 $0x4;
	s22 =	sadd.s32 s0, s20;
	[dreg:$0x6] =	wrdreg s21  }
0x11: {  	s25 =	sadd.s32 s9, s23;
	s1 =	sadd.s32 s0, s23;
	[dreg:$0x7] =	wrdreg s22  }
0x12: {  	s0 =	sadd.s32 s24, s0;
	s20 =	simm.s32 $0xA800;
	[dreg:$0x8] =	wrdreg s25  }
0x13: {  	s23 =	simm.s32 $0xD000;
	s24 =	simm.s32 $0x14800;
	[dreg:$0x9] =	wrdreg s1  }
0x14: {  	[dreg:$0xb] =	wrdreg s0;
	s22 =	simm.s32 $0x12000;
	s25 =	simm.s32 $0x1  }
0x15: {  	s1 =	simm.s32 $0x8;
	s0 =	simm.s32 $0xB;
	s21 =	simm.s32 $0x6  }
.LBB2_1:
0x16: {  	s4 =	rddreg [dreg:$0x4]  }
0x17: {  	[tilespmem:s3], [sflag:$0xD] =	stream.linear.gather [hbm4b:s4+s3], $0x3E80, $0x38;
	[tilespmem:$0x17000] =	vst v63  }
0x18: {  	_ =	swait.ge [sflag:s14], $0x3E80  }
0x19: {  	[sflag:s14] =	ssyncset.done $0x0  }
0x1a: {  	s5 =	simm.s32 $0x4000;
	s7 =	rddreg [dreg:$0x5];
	[sflag:s14] =	ssyncadd.s32 $0xFFFFC180  }
0x1b: {  	[tilespmem:s5], [sflag:$0xD] =	stream.linear.gather [hbm4b:s7+s3], $0x3E80, $0x38;
	[tilespmem:$0x17000] =	vst v63  }
0x1c: {  	_ =	swait.ge [sflag:s14], $0x3E80  }
0x1d: {  	[sflag:s14] =	ssyncset.done $0x0  }
0x1e: {  	[sflag:s14] =	ssyncadd.s32 $0xFFFFC180  }
0x1f: {  	[tilespmem:s17], [sflag:$0x1] =	stream.indirect.gather [hbm4b:s2+s16], $0x80, s3, s16, $0xb8;
	[tilespmem:$0x17000] =	vst v63  }
0x20: {  	_ = 	snop  }
0x21: {  	[tilespmem:s18], [sflag:$0x4] =	stream.indirect.gather [hbm4b:s2+s16], $0x80, s5, s16, $0xb8;
	[tilespmem:$0x17000] =	vst v63  }
0x22: {  	s9 =	simm.s32 $0x80;
	p0 =	por $0x1, $0x1  }
0x23: {  	[tilespmem:s20], [sflag:$0x2] =	stream.indirect.gather [hbm4b:s2+s16], $0x80, s9, s16, $0xb8;
	[tilespmem:$0x17000] =	vst v63  }
0x24: {  	s10 =	simm.s32 $0x4080;
	s4 =	simm.s32 @!p0 $0x9  }
0x25: {  	[tilespmem:s22], [sflag:$0x5] =	stream.indirect.gather [hbm4b:s2+s16], $0x80, s10, s16, $0xb8;
	[tilespmem:$0x17000] =	vst v63  }
0x26: {  	_ =	swait.ge @!p0 [sflag:s4], $0x2800  }
0x27: {  	[sflag:s4] =	ssyncset.done @!p0 $0x0  }
0x28: {  	[sflag:s4] =	ssyncadd.s32 @!p0 $0xFFFFD800;
	s4 =	simm.s32 @!p0 $0xC  }
0x29: {  	_ =	swait.ge @!p0 [sflag:s4], $0x2800  }
0x2a: {  	[sflag:s4] =	ssyncset.done @!p0 $0x0  }
0x2b: {  	s12 =	simm.s32 $0x100;
	[sflag:s4] =	ssyncadd.s32 @!p0 $0xFFFFD800  }
0x2c: {  	[tilespmem:s23], [sflag:$0x3] =	stream.indirect.gather [hbm4b:s2+s16], $0x80, s12, s16, $0xb8;
	[tilespmem:$0x17000] =	vst v63  }
0x2d: {  	s13 =	simm.s32 $0x4100  }
0x2e: {  	[tilespmem:s24], [sflag:$0x6] =	stream.indirect.gather [hbm4b:s2+s16], $0x80, s13, s16, $0xb8;
	[tilespmem:$0x17000] =	vst v63  }
0x2f: {  	_ =	swait.ge [sflag:s25], $0x2800  }
0x30: {  	[sflag:s25] =	ssyncset.done $0x0  }
0x31: {  	[sflag:s25] =	ssyncadd.s32 $0xFFFFD800  }
0x32: {  	_ =	swait.ge [sflag:s26], $0x2800  }
0x33: {  	[sflag:s26] =	ssyncset.done $0x0  }
0x34: {  	s4 =	sadd.s32 s8, s11;
	s10 =	rddreg [dreg:$0xb];
	[sflag:s26] =	ssyncadd.s32 $0xFFFFD800  }
0x35: {  	[hbm4b:s4+s3] =	stream.linear.scatter [tilespmem:s17], [sflag:$0x7], $0x2800, $0x38;
	[tilespmem:$0x17000] =	vst v63  }
0x36: {  	s5 =	sadd.s32 s10, s11  }
0x37: {  	[hbm4b:s5+s3] =	stream.linear.scatter [tilespmem:s18], [sflag:$0xA], $0x2800, $0x38;
	[tilespmem:$0x17000] =	vst v63  }
0x38: {  	_ =	swait.ge [sflag:s28], $0x2800  }
0x39: {  	[sflag:s28] =	ssyncset.done $0x0  }
0x3a: {  	[sflag:s28] =	ssyncadd.s32 $0xFFFFD800  }
0x3b: {  	_ =	swait.ge [sflag:s29], $0x2800  }
0x3c: {  	[sflag:s29] =	ssyncset.done $0x0  }
0x3d: {  	s7 =	simm.s32 $0x180;
	[sflag:s29] =	ssyncadd.s32 $0xFFFFD800  }
0x3e: {  	[tilespmem:s17], [sflag:$0x1] =	stream.indirect.gather [hbm4b:s2+s16], $0x80, s7, s16, $0xb8;
	[tilespmem:$0x17000] =	vst v63  }
0x3f: {  	s15 =	simm.s32 $0x4180  }
0x40: {  	[tilespmem:s18], [sflag:$0x4] =	stream.indirect.gather [hbm4b:s2+s16], $0x80, s15, s16, $0xb8;
	[tilespmem:$0x17000] =	vst v63  }
0x41: {  	_ =	swait.ge [sflag:s30], $0x2800  }
0x42: {  	[sflag:s30] =	ssyncset.done $0x0  }
0x43: {  	[sflag:s30] =	ssyncadd.s32 $0xFFFFD800  }
0x44: {  	_ =	swait.ge [sflag:s31], $0x2800  }
0x45: {  	[sflag:s31] =	ssyncset.done $0x0  }
0x46: {  	s9 =	sadd.s32 $0x500, s4;
	[sflag:s31] =	ssyncadd.s32 $0xFFFFD800  }
0x47: {  	[hbm4b:s9+s3] =	stream.linear.scatter [tilespmem:s20], [sflag:$0x8], $0x2800, $0x38;
	[tilespmem:$0x17000] =	vst v63  }
0x48: {  	s12 =	sadd.s32 $0x500, s5  }
0x49: {  	[hbm4b:s12+s3] =	stream.linear.scatter [tilespmem:s22], [sflag:$0xB], $0x2800, $0x38;
	[tilespmem:$0x17000] =	vst v63  }
0x4a: {  	_ =	swait.ge [sflag:s1], $0x2800  }
0x4b: {  	[sflag:s1] =	ssyncset.done $0x0  }
0x4c: {  	[sflag:s1] =	ssyncadd.s32 $0xFFFFD800  }
0x4d: {  	_ =	swait.ge [sflag:s0], $0x2800  }
0x4e: {  	[sflag:s0] =	ssyncset.done $0x0  }
0x4f: {  	s13 =	simm.s32 $0x200;
	[sflag:s0] =	ssyncadd.s32 $0xFFFFD800  }
0x50: {  	[tilespmem:s20], [sflag:$0x2] =	stream.indirect.gather [hbm4b:s2+s16], $0x80, s13, s16, $0xb8;
	[tilespmem:$0x17000] =	vst v63  }
0x51: {  	s15 =	simm.s32 $0x4200  }
0x52: {  	[tilespmem:s22], [sflag:$0x5] =	stream.indirect.gather [hbm4b:s2+s16], $0x80, s15, s16, $0xb8;
	[tilespmem:$0x17000] =	vst v63  }
0x53: {  	_ =	swait.ge [sflag:s19], $0x2800  }
0x54: {  	[sflag:s19] =	ssyncset.done $0x0  }
0x55: {  	[sflag:s19] =	ssyncadd.s32 $0xFFFFD800  }
0x56: {  	_ =	swait.ge [sflag:s21], $0x2800  }
0x57: {  	p1 =	por $0x0, $0x0;
	s4 =	sadd.s32 $0xA00, s4;
	[sflag:s21] =	ssyncset.done $0x0  }
0x58: {  	s7 =	sadd.s32 $0xF00, s10;
	s9 =	simm.s32 $0x600;
	[sflag:s21] =	ssyncadd.s32 $0xFFFFD800  }
0x59: {  	[hbm4b:s4+s3] =	stream.linear.scatter [tilespmem:s23], [sflag:$0x9], $0x2800, $0x38;
	[tilespmem:$0x17000] =	vst v63  }
0x5a: {  	s12 =	smov.u32 s8;
	s15 =	simm.s32 $0xC00;
	s4 =	sadd.s32 $0xA00, s5  }
.LBB2_2:
0x5b: {  	s5 =	simm.s32 @!p1 $0x9  }
0x5c: {  	s12 =	sadd.s32 $0xF00, s12;
	s13 =	smov.u32 s15;
	s15 =	sadd.s32 $0x600, s15  }
0x5d: {  	[hbm4b:s4+s3] =	stream.linear.scatter [tilespmem:s24], [sflag:$0xC], $0x2800, $0x38;
	[tilespmem:$0x17000] =	vst v63  }
0x5e: {  	p0 =	sne.s32 s15, $0xF600;
	_ =	swait.ge @!p1 [sflag:s5], $0x2800  }
0x5f: {  	[sflag:s5] =	ssyncset.done @!p1 $0x0  }
0x60: {  	s4 =	simm.s32 @!p1 $0xC;
	[sflag:s5] =	ssyncadd.s32 @!p1 $0xFFFFD800  }
0x61: {  	_ =	swait.ge @!p1 [sflag:s4], $0x2800  }
0x62: {  	s10 =	sshra.s32 s9, $0x2;
	s9 =	smov.u32 s13;
	[sflag:s4] =	ssyncset.done @!p1 $0x0  }
0x63: {  	[sflag:s4] =	ssyncadd.s32 @!p1 $0xFFFFD800;
	s4 =	sadd.s32 $0x100, s10  }
0x64: {  	[tilespmem:s23], [sflag:$0x3] =	stream.indirect.gather [hbm4b:s2+s16], $0x80, s4, s16, $0xb8;
	[tilespmem:$0x17000] =	vst v63  }
0x65: {  	s4 =	sadd.s32 $0x4100, s10  }
0x66: {  	[tilespmem:s24], [sflag:$0x6] =	stream.indirect.gather [hbm4b:s2+s16], $0x80, s4, s16, $0xb8;
	[tilespmem:$0x17000] =	vst v63  }
0x67: {  	_ =	swait.ge [sflag:s25], $0x2800  }
0x68: {  	[sflag:s25] =	ssyncset.done $0x0  }
0x69: {  	[sflag:s25] =	ssyncadd.s32 $0xFFFFD800  }
0x6a: {  	_ =	swait.ge [sflag:s26], $0x2800  }
0x6b: {  	[sflag:s26] =	ssyncset.done $0x0  }
0x6c: {  	s5 =	sadd.s32 s12, s11;
	[sflag:s26] =	ssyncadd.s32 $0xFFFFD800  }
0x6d: {  	[hbm4b:s5+s3] =	stream.linear.scatter [tilespmem:s17], [sflag:$0x7], $0x2800, $0x38;
	[tilespmem:$0x17000] =	vst v63  }
0x6e: {  	s4 =	sadd.s32 s7, s11  }
0x6f: {  	[hbm4b:s4+s3] =	stream.linear.scatter [tilespmem:s18], [sflag:$0xA], $0x2800, $0x38;
	[tilespmem:$0x17000] =	vst v63  }
0x70: {  	_ =	swait.ge [sflag:s28], $0x2800  }
0x71: {  	[sflag:s28] =	ssyncset.done $0x0  }
0x72: {  	[sflag:s28] =	ssyncadd.s32 $0xFFFFD800  }
0x73: {  	_ =	swait.ge [sflag:s29], $0x2800  }
0x74: {  	[sflag:s29] =	ssyncset.done $0x0  }
0x75: {  	s13 =	sadd.s32 $0x180, s10;
	[sflag:s29] =	ssyncadd.s32 $0xFFFFD800  }
0x76: {  	[tilespmem:s17], [sflag:$0x1] =	stream.indirect.gather [hbm4b:s2+s16], $0x80, s13, s16, $0xb8;
	[tilespmem:$0x17000] =	vst v63  }
0x77: {  	s13 =	sadd.s32 $0x4180, s10  }
0x78: {  	[tilespmem:s18], [sflag:$0x4] =	stream.indirect.gather [hbm4b:s2+s16], $0x80, s13, s16, $0xb8;
	[tilespmem:$0x17000] =	vst v63  }
0x79: {  	_ =	swait.ge [sflag:s30], $0x2800  }
0x7a: {  	[sflag:s30] =	ssyncset.done $0x0  }
0x7b: {  	[sflag:s30] =	ssyncadd.s32 $0xFFFFD800  }
0x7c: {  	_ =	swait.ge [sflag:s31], $0x2800  }
0x7d: {  	[sflag:s31] =	ssyncset.done $0x0  }
0x7e: {  	s13 =	sadd.s32 $0x500, s5;
	[sflag:s31] =	ssyncadd.s32 $0xFFFFD800  }
0x7f: {  	[hbm4b:s13+s3] =	stream.linear.scatter [tilespmem:s20], [sflag:$0x8], $0x2800, $0x38;
	[tilespmem:$0x17000] =	vst v63  }
0x80: {  	s13 =	sadd.s32 $0x500, s4  }
0x81: {  	[hbm4b:s13+s3] =	stream.linear.scatter [tilespmem:s22], [sflag:$0xB], $0x2800, $0x38;
	[tilespmem:$0x17000] =	vst v63  }
0x82: {  	_ =	swait.ge [sflag:s1], $0x2800  }
0x83: {  	[sflag:s1] =	ssyncset.done $0x0  }
0x84: {  	[sflag:s1] =	ssyncadd.s32 $0xFFFFD800  }
0x85: {  	_ =	swait.ge [sflag:s0], $0x2800  }
0x86: {  	[sflag:s0] =	ssyncset.done $0x0  }
0x87: {  	s13 =	sadd.s32 $0x200, s10;
	[sflag:s0] =	ssyncadd.s32 $0xFFFFD800  }
0x88: {  	[tilespmem:s20], [sflag:$0x2] =	stream.indirect.gather [hbm4b:s2+s16], $0x80, s13, s16, $0xb8;
	[tilespmem:$0x17000] =	vst v63  }
0x89: {  	s10 =	sadd.s32 $0x4200, s10  }
0x8a: {  	[tilespmem:s22], [sflag:$0x5] =	stream.indirect.gather [hbm4b:s2+s16], $0x80, s10, s16, $0xb8;
	[tilespmem:$0x17000] =	vst v63  }
0x8b: {  	_ =	swait.ge [sflag:s19], $0x2800  }
0x8c: {  	[sflag:s19] =	ssyncset.done $0x0  }
.Ltmp0:
0x8d: {  	[sflag:s19] =	ssyncadd.s32 $0xFFFFD800;
	(pc) =	sbr.rel @p0 .LBB2_2-.Ltmp0, $4  }
0x8e: {  	_ =	swait.ge [sflag:s21], $0x2800  }
0x8f: {  	s7 =	sadd.s32 $0xF00, s7;
	s5 =	sadd.s32 $0xA00, s5;
	[sflag:s21] =	ssyncset.done $0x0  }
0x90: {  	p1 =	seq.s32 s9, $0x0;
	s4 =	sadd.s32 $0xA00, s4;
	[sflag:s21] =	ssyncadd.s32 $0xFFFFD800  }
0x91: {  	[hbm4b:s5+s3] =	stream.linear.scatter [tilespmem:s23], [sflag:$0x9], $0x2800, $0x38;
	[tilespmem:$0x17000] =	vst v63  }
0x92: {  	[hbm4b:s4+s3] =	stream.linear.scatter [tilespmem:s24], [sflag:$0xC], $0x2800, $0x38;
	[tilespmem:$0x17000] =	vst v63  }
0x93: {  	s4 =	simm.s32 @!p1 $0x9  }
0x94: {  	_ =	swait.ge @!p1 [sflag:s4], $0x2800  }
0x95: {  	[sflag:s4] =	ssyncset.done @!p1 $0x0  }
0x96: {  	[sflag:s4] =	ssyncadd.s32 @!p1 $0xFFFFD800;
	s4 =	simm.s32 @!p1 $0xC  }
0x97: {  	_ =	swait.ge @!p1 [sflag:s4], $0x2800  }
0x98: {  	s5 =	sshra.s32 s9, $0x2;
	[sflag:s4] =	ssyncset.done @!p1 $0x0  }
0x99: {  	s9 =	sadd.s32 $0x100, s5;
	[sflag:s4] =	ssyncadd.s32 @!p1 $0xFFFFD800  }
0x9a: {  	[tilespmem:s23], [sflag:$0x3] =	stream.indirect.gather [hbm4b:s2+s16], $0x80, s9, s16, $0xb8;
	[tilespmem:$0x17000] =	vst v63  }
0x9b: {  	s10 =	sadd.s32 $0x4100, s5  }
0x9c: {  	[tilespmem:s24], [sflag:$0x6] =	stream.indirect.gather [hbm4b:s2+s16], $0x80, s10, s16, $0xb8;
	[tilespmem:$0x17000] =	vst v63  }
0x9d: {  	_ =	swait.ge [sflag:s25], $0x2800  }
0x9e: {  	[sflag:s25] =	ssyncset.done $0x0  }
0x9f: {  	[sflag:s25] =	ssyncadd.s32 $0xFFFFD800  }
0xa0: {  	_ =	swait.ge [sflag:s26], $0x2800  }
0xa1: {  	s13 =	sadd.s32 $0xF00, s12;
	[sflag:s26] =	ssyncset.done $0x0  }
0xa2: {  	s4 =	sadd.s32 s13, s11;
	[sflag:s26] =	ssyncadd.s32 $0xFFFFD800  }
0xa3: {  	[hbm4b:s4+s3] =	stream.linear.scatter [tilespmem:s17], [sflag:$0x7], $0x2800, $0x38;
	[tilespmem:$0x17000] =	vst v63  }
0xa4: {  	s7 =	sadd.s32 s7, s11  }
0xa5: {  	[hbm4b:s7+s3] =	stream.linear.scatter [tilespmem:s18], [sflag:$0xA], $0x2800, $0x38;
	[tilespmem:$0x17000] =	vst v63  }
0xa6: {  	_ =	swait.ge [sflag:s28], $0x2800  }
0xa7: {  	[sflag:s28] =	ssyncset.done $0x0  }
0xa8: {  	[sflag:s28] =	ssyncadd.s32 $0xFFFFD800  }
0xa9: {  	_ =	swait.ge [sflag:s29], $0x2800  }
0xaa: {  	[sflag:s29] =	ssyncset.done $0x0  }
0xab: {  	s9 =	sadd.s32 $0x180, s5;
	[sflag:s29] =	ssyncadd.s32 $0xFFFFD800  }
0xac: {  	[tilespmem:s17], [sflag:$0x1] =	stream.indirect.gather [hbm4b:s2+s16], $0x80, s9, s16, $0xb8;
	[tilespmem:$0x17000] =	vst v63  }
0xad: {  	s15 =	sadd.s32 $0x4180, s5  }
0xae: {  	[tilespmem:s18], [sflag:$0x4] =	stream.indirect.gather [hbm4b:s2+s16], $0x80, s15, s16, $0xb8;
	[tilespmem:$0x17000] =	vst v63  }
0xaf: {  	_ =	swait.ge [sflag:s30], $0x2800  }
0xb0: {  	[sflag:s30] =	ssyncset.done $0x0  }
0xb1: {  	[sflag:s30] =	ssyncadd.s32 $0xFFFFD800  }
0xb2: {  	_ =	swait.ge [sflag:s31], $0x2800  }
0xb3: {  	[sflag:s31] =	ssyncset.done $0x0  }
0xb4: {  	s10 =	sadd.s32 $0x500, s4;
	[sflag:s31] =	ssyncadd.s32 $0xFFFFD800  }
0xb5: {  	[hbm4b:s10+s3] =	stream.linear.scatter [tilespmem:s20], [sflag:$0x8], $0x2800, $0x38;
	[tilespmem:$0x17000] =	vst v63  }
0xb6: {  	s12 =	sadd.s32 $0x500, s7  }
0xb7: {  	[hbm4b:s12+s3] =	stream.linear.scatter [tilespmem:s22], [sflag:$0xB], $0x2800, $0x38;
	[tilespmem:$0x17000] =	vst v63  }
0xb8: {  	_ =	swait.ge [sflag:s1], $0x2800  }
0xb9: {  	[sflag:s1] =	ssyncset.done $0x0  }
0xba: {  	[sflag:s1] =	ssyncadd.s32 $0xFFFFD800  }
0xbb: {  	_ =	swait.ge [sflag:s0], $0x2800  }
0xbc: {  	[sflag:s0] =	ssyncset.done $0x0  }
0xbd: {  	s13 =	sadd.s32 $0x200, s5;
	[sflag:s0] =	ssyncadd.s32 $0xFFFFD800  }
0xbe: {  	[tilespmem:s20], [sflag:$0x2] =	stream.indirect.gather [hbm4b:s2+s16], $0x80, s13, s16, $0xb8;
	[tilespmem:$0x17000] =	vst v63  }
0xbf: {  	s5 =	sadd.s32 $0x4200, s5  }
0xc0: {  	[tilespmem:s22], [sflag:$0x5] =	stream.indirect.gather [hbm4b:s2+s16], $0x80, s5, s16, $0xb8;
	[tilespmem:$0x17000] =	vst v63  }
0xc1: {  	_ =	swait.ge [sflag:s19], $0x2800  }
0xc2: {  	[sflag:s19] =	ssyncset.done $0x0  }
0xc3: {  	[sflag:s19] =	ssyncadd.s32 $0xFFFFD800  }
0xc4: {  	_ =	swait.ge [sflag:s21], $0x2800  }
0xc5: {  	[sflag:s21] =	ssyncset.done $0x0  }
0xc6: {  	s4 =	sadd.s32 $0xA00, s4;
	[sflag:s21] =	ssyncadd.s32 $0xFFFFD800  }
0xc7: {  	[hbm4b:s4+s3] =	stream.linear.scatter [tilespmem:s23], [sflag:$0x9], $0x2800, $0x38;
	[tilespmem:$0x17000] =	vst v63  }
0xc8: {  	s15 =	sadd.s32 $0xA00, s7  }
0xc9: {  	[hbm4b:s15+s3] =	stream.linear.scatter [tilespmem:s24], [sflag:$0xC], $0x2800, $0x38;
	[tilespmem:$0x17000] =	vst v63  }
0xca: {  	_ =	swait.ge [sflag:s25], $0x2800  }
0xcb: {  	[sflag:s25] =	ssyncset.done $0x0  }
0xcc: {  	[sflag:s25] =	ssyncadd.s32 $0xFFFFD800  }
0xcd: {  	_ =	swait.ge [sflag:s26], $0x2800  }
0xce: {  	[sflag:s26] =	ssyncset.done $0x0  }
0xcf: {  	s5 =	rddreg [dreg:$0x6];
	[sflag:s26] =	ssyncadd.s32 $0xFFFFD800  }
0xd0: {  	[hbm4b:s5+s3] =	stream.linear.scatter [tilespmem:s17], [sflag:$0x7], $0x2800, $0x38;
	[tilespmem:$0x17000] =	vst v63  }
0xd1: {  	s7 =	rddreg [dreg:$0x7]  }
0xd2: {  	[hbm4b:s7+s3] =	stream.linear.scatter [tilespmem:s18], [sflag:$0xA], $0x2800, $0x38;
	[tilespmem:$0x17000] =	vst v63  }
0xd3: {  	_ =	swait.ge [sflag:s30], $0x2800  }
0xd4: {  	[sflag:s30] =	ssyncset.done $0x0  }
0xd5: {  	[sflag:s30] =	ssyncadd.s32 $0xFFFFD800  }
0xd6: {  	_ =	swait.ge [sflag:s31], $0x2800  }
0xd7: {  	[sflag:s31] =	ssyncset.done $0x0  }
0xd8: {  	s9 =	rddreg [dreg:$0x8];
	[sflag:s31] =	ssyncadd.s32 $0xFFFFD800  }
0xd9: {  	[hbm4b:s9+s3] =	stream.linear.scatter [tilespmem:s20], [sflag:$0x8], $0x2800, $0x38;
	[tilespmem:$0x17000] =	vst v63  }
0xda: {  	s12 =	simm.s32 $0x9;
	s10 =	rddreg [dreg:$0x9]  }
0xdb: {  	[hbm4b:s10+s3] =	stream.linear.scatter [tilespmem:s22], [sflag:$0xB], $0x2800, $0x38;
	[tilespmem:$0x17000] =	vst v63  }
0xdc: {  	_ =	swait.ge [sflag:s12], $0x2800  }
0xdd: {  	[sflag:s12] =	ssyncset.done $0x0  }
0xde: {  	s13 =	simm.s32 $0xC;
	[sflag:s12] =	ssyncadd.s32 $0xFFFFD800  }
0xdf: {  	_ =	swait.ge [sflag:s13], $0x2800  }
0xe0: {  	[sflag:s13] =	ssyncset.done $0x0  }
0xe1: {  	[sflag:s13] =	ssyncadd.s32 $0xFFFFD800  }
0xe2: {  	_ =	swait.ge [sflag:s28], $0x2800  }
0xe3: {  	[sflag:s28] =	ssyncset.done $0x0  }
0xe4: {  	[sflag:s28] =	ssyncadd.s32 $0xFFFFD800  }
0xe5: {  	_ =	swait.ge [sflag:s29], $0x2800  }
0xe6: {  	[sflag:s29] =	ssyncset.done $0x0  }
0xe7: {  	[sflag:s29] =	ssyncadd.s32 $0xFFFFD800  }
0xe8: {  	_ =	swait.ge [sflag:s1], $0x2800  }
0xe9: {  	[sflag:s1] =	ssyncset.done $0x0  }
0xea: {  	[sflag:s1] =	ssyncadd.s32 $0xFFFFD800  }
0xeb: {  	_ =	swait.ge [sflag:s0], $0x2800  }
0xec: {  	s6 =	sadd.s32 $0x1, s6;
	s15 =	rddreg [dreg:$0xa]  }
0xed: {  	p0 =	sne.s32 s6, s15  }
.Ltmp1:
0xee: {  	_ = 	snop;
	(pc) =	sbr.rel @p0 .LBB2_1-.Ltmp1, $3  }
0xef: {  	_ =	sdelay $0x1  }
0xf0: {  	[sflag:s0] =	ssyncset.done $0x0  }
0xf1: {  	[sflag:s0] =	ssyncadd.s32 $0xFFFFD800  }
0xf2: {  	_ =	sfence.sel $0x180000  }
0xf3: {  	[bflag:$0x0] =	sbarrier.arrive $0xFFFF  }
0xf4: {  	_ =	strace $0x90000047  }
0xf5: {  	s0 =	stileid.u32;
	[bflag:$0x2] =	sbarrier.arrive $0xFFFF  }
0xf6: {  	p0 =	sne.s32 s0, $0x0;
	s0 =	rddreg [dreg:$0x3]  }
0xf7: {  	s0 =	sadd.s32 @!p0 $0x100000, s0  }
0xf8: {  	[sflag:s0] =	ssyncadd.tile.s32 @!p0 $0x1;
	_ =	shalt  }
.Lfunc_end2:
_tile_overlayer_lowered:
.L_overlay_start_2:
0xf9: {  	(tag) =	ssettag $0x2  }
0xfa: {  	s0 =	rddreg [dreg:$0x0];
	s2 =	stileid.u32  }
0xfb: {  	s1 =	rddreg [dreg:$0x1];
	p0 =	sne.s32 s2, $0x0  }
0xfc: {  	s3 =	rddreg [dreg:$0x2];
	[bflag:$0x3] =	sbarrier.arrive $0xFFFF;
	s2 =	simm.s32 @!p0 $0x1C0D  }
0xfd: {  	[timem:s3], [sflag:s2] =	dma.local @!p0 [hbm:s0], s1  }
0xfe: {  	s0 =	simm.s32 @!p0 $0xD  }
0xff: {  	_ =	swait.ge @!p0 [sflag:s0], s1  }
0x100: {  	s1 =	ssub.s32 @!p0 $0x0, s1;
	[sflag:s0] =	ssyncset.done @!p0 $0x0  }
0x101: {  	[sflag:s0] =	ssyncadd.s32 @!p0 s1  }
0x102: {  	[bflag:$0x3] =	sbarrier.arrive $0xFFFF  }
0x103: {  	_ =	shalt  }

// kernel: kernel.9.cloned.1.call-start
scs
__scs_entry_jumppad:
0x0: {  	(pc) =	sbr.rel $0x88, $3  }
0x1: {  	(tag) =	ssettag $0x0;
	lr =	simm.s32 $0x1  }
0x2: {  	[smem:$0x3F96] =	sst lr;
	_ =	strace $0xD0000000  }
0x3: {  	_ = 	snop  }
0x4: {  	_ = 	snop  }
0x5: {  	_ = 	snop  }
0x6: {  	_ = 	snop  }
0x7: {  	_ = 	snop  }
__scs_overlays_trampoline_lowered:
0x8: {  	[smem:$0x3FA5] =	sst s0  }
0x9: {  	[smem:$0x3FA6] =	sst s1  }
0xa: {  	[smem:$0x3FA7] =	sst s2  }
0xb: {  	[smem:$0x3FA8] =	sst s3  }
0xc: {  	[smem:$0x3FA9] =	sst s4  }
0xd: {  	[smem:$0x3FAA] =	sst s5  }
0xe: {  	[smem:$0x3FAB] =	sst s6  }
0xf: {  	[smem:$0x3FAC] =	sst s7  }
0x10: {  	[smem:$0x3FAD] =	sst s8  }
0x11: {  	[smem:$0x3FAE] =	sst s9;
	s0 =	simm.s32 @!p0 $0x0  }
0x12: {  	s1 =	sld [smem:$0x3F94];
	s0 =	simm.s32 @p0 $0x1  }
0x13: {  	[smem:$0x3FAF] =	sst s0;
	s0 =	simm.s32 @!p1 $0x0  }
0x14: {  	s2 =	sld [smem:$0x3F93];
	s0 =	simm.s32 @p1 $0x1  }
0x15: {  	[smem:$0x3FB0] =	sst s0;
	s0 =	simm.s32 @!p2 $0x0  }
0x16: {  	s3 =	sld [smem:$0x3FDB];
	s0 =	simm.s32 @p2 $0x1  }
0x17: {  	s4 =	simm.s32 $0x1BF5;
	[smem:$0x3FB2] =	sst s0  }
0x18: {  	s0 =	sld [smem:$0x3F95];
	_ =	swait.ge [sflag:s4], $0x0  }
0x19: {  	s7 =	sld [smem:$0x3F96]  }
0x1a: {  	s8 =	sadd.s32 $0xFFFFE003, lr  }
0x1b: {  	s9 =	sadd.s32 $0xFFFFFEF7, lr;
	s5 =	simm.s32 $0xFFFFFFFF;
	p2 =	slt.u32 s8, $0xFFFFF086  }
0x1c: {  	p1 =	slt.u32 s9, $0xF7A;
	s5 =	simm.s32 @!p2 $0x0  }
0x1d: {  	s5 =	simm.s32 @p1 $0x1;
	p0 =	seq.s32 s7, s2  }
0x1e: {  	s7 =	smul.u32 @!p0 $0xF7A, s2;
	p2 =	seq.s32 @!p0 s5, $0x0  }
0x1f: {  	s9 =	smul.u32 $0xF7A, s1;
	s8 =	simm.s32 @!p0 $0x1BF5;
	p2 =	por !p2, p0  }
0x20: {  	[sflag:s8] =	ssyncset.s32 @!p0 $0xFFFFF086;
	s6 =	sadd.s32 @!p0 s3, s7;
	s7 =	simm.s32 @!p0 $0x108  }
0x21: {  	s3 =	sadd.s32 s3, s9;
	s6 =	sadd.s32 @!p0 $0x88, s6;
	s7 =	simm.s32 @p2 $0x1082  }
0x22: {  	[simem:s7], [sflag:s8] =	dma.local @!p0 [hbm:s6], $0xF7A  }
0x23: {  	s9 =	sor.u32 $0xD0000000, s2;
	s6 =	simm.s32 $0x108;
	_ =	swait.ge @!p0 [sflag:s8], $0x0  }
0x24: {  	s3 =	sadd.s32 $0x88, s3;
	s6 =	simm.s32 @!p1 $0x1082;
	[sflag:s4] =	ssyncset.s32 $0xFFFFF086  }
0x25: {  	[simem:s6], [sflag:s4] =	dma.local [hbm:s3], $0xF7A  }
0x26: {  	[smem:$0x3F96] =	sst s1;
	(tag) =	ssettag s2;
	_ =	strace s9  }
0x27: {  	s1 =	sld [smem:$0x3FA6]  }
0x28: {  	s2 =	sld [smem:$0x3FA7]  }
0x29: {  	s4 =	sld [smem:$0x3FA9]  }
0x2a: {  	p0 =	seq.s32 s5, $0x0;
	s5 =	sld [smem:$0x3FAA]  }
0x2b: {  	s6 =	sld [smem:$0x3FAB]  }
0x2c: {  	s7 =	sld [smem:$0x3FAC]  }
0x2d: {  	s3 =	simm.s32 $0x108;
	s8 =	sld [smem:$0x3FAD]  }
0x2e: {  	s3 =	simm.s32 @!p0 $0x1082;
	s9 =	sld [smem:$0x3FAE]  }
0x2f: {  	lr =	sadd.s32 s0, s3;
	s0 =	sld [smem:$0x3FA5]  }
0x30: {  	s3 =	sld [smem:$0x3FA8]  }
0x31: {  	[smem:$0x3FB1] =	sst s10  }
0x32: {  	s10 =	sld [smem:$0x3FAF];
	_ =	sdelay $0x3  }
0x33: {  	p0 =	seq.s32 s10, $0x1;
	s10 =	sld [smem:$0x3FB1];
	_ =	sdelay $0x3  }
0x34: {  	[smem:$0x3FB1] =	sst s10  }
0x35: {  	s10 =	sld [smem:$0x3FB0];
	_ =	sdelay $0x3  }
0x36: {  	p1 =	seq.s32 s10, $0x1;
	s10 =	sld [smem:$0x3FB1];
	_ =	sdelay $0x3  }
0x37: {  	[smem:$0x3FB1] =	sst s10  }
0x38: {  	s10 =	sld [smem:$0x3FB2]  }
0x39: {  	_ = 	snop;
	(pc) =	sbr.ind lr, $3  }
0x3a: {  	_ = 	snop  }
0x3b: {  	_ = 	snop  }
0x3c: {  	p2 =	seq.s32 s10, $0x1;
	s10 =	sld [smem:$0x3FB1]  }
0x3d: {  	_ =	shalt  }
0x3e: {  	_ =	shalt  }
0x3f: {  	_ =	shalt  }
0x40: {  	_ =	shalt  }
0x41: {  	_ =	shalt  }
0x42: {  	_ =	shalt  }
0x43: {  	_ =	shalt  }
0x44: {  	_ =	shalt  }
0x45: {  	_ =	shalt  }
0x46: {  	_ =	shalt  }
0x47: {  	_ =	shalt  }
0x48: {  	_ =	shalt  }
0x49: {  	_ =	shalt  }
0x4a: {  	_ =	shalt  }
0x4b: {  	_ =	shalt  }
0x4c: {  	_ =	shalt  }
0x4d: {  	_ =	shalt  }
0x4e: {  	_ =	shalt  }
0x4f: {  	_ =	shalt  }
0x50: {  	_ =	shalt  }
0x51: {  	_ =	shalt  }
0x52: {  	_ =	shalt  }
0x53: {  	_ =	shalt  }
0x54: {  	_ =	shalt  }
0x55: {  	_ =	shalt  }
0x56: {  	_ =	shalt  }
0x57: {  	_ =	shalt  }
0x58: {  	_ =	shalt  }
0x59: {  	_ =	shalt  }
0x5a: {  	_ =	shalt  }
0x5b: {  	_ =	shalt  }
0x5c: {  	_ =	shalt  }
0x5d: {  	_ =	shalt  }
0x5e: {  	_ =	shalt  }
0x5f: {  	_ =	shalt  }
0x60: {  	_ =	shalt  }
0x61: {  	_ =	shalt  }
0x62: {  	_ =	shalt  }
0x63: {  	_ =	shalt  }
0x64: {  	_ =	shalt  }
0x65: {  	_ =	shalt  }
0x66: {  	_ =	shalt  }
0x67: {  	_ =	shalt  }
0x68: {  	_ =	shalt  }
0x69: {  	_ =	shalt  }
0x6a: {  	_ =	shalt  }
0x6b: {  	_ =	shalt  }
0x6c: {  	_ =	shalt  }
0x6d: {  	_ =	shalt  }
0x6e: {  	_ =	shalt  }
0x6f: {  	_ =	shalt  }
0x70: {  	_ =	shalt  }
0x71: {  	_ =	shalt  }
0x72: {  	_ =	shalt  }
0x73: {  	_ =	shalt  }
0x74: {  	_ =	shalt  }
0x75: {  	_ =	shalt  }
0x76: {  	_ =	shalt  }
0x77: {  	_ =	shalt  }
0x78: {  	_ =	shalt  }
0x79: {  	_ =	shalt  }
0x7a: {  	_ =	shalt  }
0x7b: {  	_ =	shalt  }
0x7c: {  	_ =	shalt  }
0x7d: {  	_ =	shalt  }
0x7e: {  	_ =	shalt  }
0x7f: {  	_ =	shalt  }
0x80: {  	_ =	shalt  }
0x81: {  	_ =	shalt  }
0x82: {  	_ =	shalt  }
0x83: {  	_ =	shalt  }
0x84: {  	_ =	shalt  }
0x85: {  	_ =	shalt  }
0x86: {  	_ =	shalt  }
0x87: {  	_ =	shalt  }
.Lfunc_end0:
.L_simem_size_0:
called_computation.1_lowered:
.L_overlay_start_0:
0x88: {  	s2 =	sld [smem:$0x3FD9]  }
0x89: {  	s3 =	sld [smem:$0x3FFE];
	_ =	sdelay $0x1  }
0x8a: {  	s1 =	srdreg.scid  }
0x8b: {  	s0 =	sand.u32 $0x1, s1  }
0x8c: {  	s17 =	sshll.u32 s0, $0xA;
	s2 =	sadd.s32 s3, s2  }
0x8d: {  	s2 =	sadd.s32 s2, s17  }
0x8e: {  	[smem:$0x3FBD] =	sst s2  }
0x8f: {  	_ = 	snop  }
0x90: {  	s2 =	sld [smem:$0x3FD0];
	(tm) =	ssettm $0x1  }
0x91: {  	s18 =	sld [smem:$0x3FFB];
	_ =	sdelay $0x3  }
0x92: {  	_ =	strace s18  }
0x93: {  	s3 =	sld [smem:$0x3FFC];
	_ =	sdelay $0x3  }
0x94: {  	_ =	strace s3  }
0x95: {  	s3 =	sld [smem:$0x3FFD];
	_ =	sdelay $0x3  }
0x96: {  	_ =	strace s3  }
0x97: {  	_ =	strace $0x8FFFFFFF  }
0x98: {  	s19 =	sld [smem:$0x3FDB];
	_ =	sdelay $0x1  }
0x99: {  	s4 =	simm.s32 $_scs_section_size  }
0x9a: {  	s5 =	simm.s32 $_size__tile_overlayer_lowered;
	s6 =	simm.s32 $_tile_overlayer_lowered  }
0x9b: {  	s22 =	simm.s32 $0x1BFF;
	s21 =	sshll.u32 s6, $0x1;
	s3 =	sadd.s32 s4, s19  }
0x9c: {  	s7 =	simm.s32 $0x0;
	s20 =	sshll.u32 s5, $0x1;
	s5 =	sadd.s32 s21, s3  }
0x9d: {  	[timem:s7], [sflag:s22] =	dma.local [hbm:s5], s20  }
0x9e: {  	_ =	swait.ge [sflag:s22], s20  }
0x9f: {  	s4 =	ssub.s32 $0x0, s20;
	[sflag:s22] =	ssyncset.done $0x0  }
0xa0: {  	[sflag:s22] =	ssyncadd.s32 s4;
	_ =	sdelay $0x1  }
0xa1: {  	s23 =	simm.s32 $0x1B8B  }
0xa2: {  	_ =	swait.ge [sflag:s23], $0x1  }
0xa3: {  	[sflag:s23] =	ssyncset.done $0x0  }
0xa4: {  	s25 =	simm.s32 $0x1B8E;
	s24 =	sld [smem:$0x3FFE];
	[sflag:s23] =	ssyncadd.s32 $0xFFFFFFFF  }
0xa5: {  	s26 =	simm.s32 $execute0_lowered;
	[smem:$0x3FD2] =	sst s25  }
0xa6: {  	s5 =	sshll.u32 s26, $0x1;
	_ =	strace $0x80000049;
	[dreg:$0x1] =	wrdreg $0xFFFFFFFF  }
0xa7: {  	s28 =	simm.s32 $_size_execute0_lowered;
	s3 =	sadd.s32 s3, s5;
	[dreg:$0x0] =	wrdreg $0x0  }
0xa8: {  	s5 =	sshll.u32 s28, $0x1;
	[dreg:$0x2] =	wrdreg s3  }
0xa9: {  	[dreg:$0x3] =	wrdreg s5  }
0xaa: {  	[dreg:$0x4] =	wrdreg $0xC0  }
0xab: {  	_ =	task [dreg:s7], $0x5FFFF  }
0xac: {  	[dreg:$0x1] =	wrdreg $0xFFFFFFFF  }
0xad: {  	[dreg:$0x0] =	wrdreg $0x60  }
0xae: {  	[dreg:$0x2] =	wrdreg s2  }
0xaf: {  	[dreg:$0x3] =	wrdreg s24  }
0xb0: {  	[dreg:$0x4] =	wrdreg $0x15C000  }
0xb1: {  	[dreg:$0x5] =	wrdreg $0x9  }
0xb2: {  	_ =	task.clear_ibuf [dreg:s7], $0x6FFFF;
	_ =	strace $0x90000049  }
0xb3: {  	s29 =	simm.s32 $0x9;
	_ =	strace $0x8000004B  }
0xb4: {  	_ =	swait.ge [sflag:s29], $0x1  }
0xb5: {  	[sflag:s29] =	ssyncadd.s32 $0xFFFFFFFF  }
0xb6: {  	_ =	strace $0x9000004B  }
0xb7: {  	_ =	sfence  }
0xb8: {  	s30 =	sld [smem:$0x0];
	_ =	sdelay $0x2  }
0xb9: {  	s31 =	sshll.u32 s1, $0xD;
	s1 =	sshrl.u32 s1, $0x2  }
0xba: {  	s3 =	sand.u32 $0x4000, s31;
	s1 =	sadd.s32 s1, s30  }
0xbb: {  	s0 =	sor.u32 s3, s0;
	s1 =	sshll.u32 s1, $0x11  }
0xbc: {  	s0 =	sor.u32 s1, s0  }
0xbd: {  	s0 =	sadd.s32 $0x8F2B, s0  }
0xbe: {  	[sflag:s0] =	ssyncadd.remote.s32 $0x1  }
0xbf: {  	_ =	sfence.sel $0xFFFF  }
0xc0: {  	[dreg:$0x0] =	wrdreg $0xFFFFFFFF;
	(pc) =	sbr.abs _section_cstart, $3  }
0xc1: {  	[dreg:$0x1] =	wrdreg $0xFFFFFFFF  }
0xc2: {  	_ =	task.clear_ibuf [dreg:s7], $0x2FFFF;
	_ =	strace $0x9FFFFFFF  }
0xc3: {  	(tm) =	ssettm $0x7FFFFFFF  }
tec
execute0_lowered:
.L_overlay_start_1:
0x0: {  	(tag) =	ssettag $0x1  }
0x1: {  	s0 =	rddreg [dreg:$0x0]  }
0x2: {  	s2 =	rddreg [dreg:$0x1]  }
0x3: {  	s1 =	rddreg [dreg:$0x2];
	s3 =	simm.s32 $0x0  }
0x4: {  	s4 =	srdreg.scid;
	s17 =	stileid.u32;
	s16 =	simm.s32 $0x7  }
0x5: {  	s18 =	simm.s32 $0x6800;
	s19 =	simm.s32 $0x9000;
	s8 =	smul.u32 $0x2710, s17  }
0x6: {  	s29 =	simm.s32 $0x6;
	[smem:$0x7FF] =	sst s3;
	s22 =	smul.u32 $0x27000, s17  }
0x7: {  	s4 =	sand.u32 $0x1, s4;
	s15 =	sadd.s32 $0xEB7A00, s2;
	s25 =	smul.u32 $0x9C00, s17  }
0x8: {  	s2 =	sadd.s32 $0x1A00, s2;
	s21 =	sshll.u32 s17, $0xB;
	s31 =	smul.u32 $0x27100, s17  }
0x9: {  	p0 =	seq.s32 s17, $0xF;
	s17 =	simm.s32 $0x4000;
	s6 =	smul.u32 $0x27100, s4  }
0xa: {  	s5 =	ssub.s32 $0x2, s4;
	_ =	strace $0x8000004A;
	s9 =	smul.u32 $0x9C800, s4  }
0xb: {  	s23 =	sshll.u32 s4, $0xF;
	s0 =	sadd.s32 s0, s21;
	s30 =	smul.u32 $0x271000, s4  }
0xc: {  	s21 =	simm.s32 $0x50;
	s7 =	sshrl.u32 s5, $0x1;
	s0 =	sadd.s32 s23, s0  }
0xd: {  	s24 =	sshrl.u32 s22, $0x2;
	s22 =	simm.s32 $0x4;
	s23 =	simm.s32 $0x2  }
0xe: {  	s11 =	ssub.s32 s5, s7;
	s20 =	sadd.s32 s8, s6;
	[dreg:$0x4] =	wrdreg s0  }
0xf: {  	s5 =	sadd.s32 s24, s1;
	s6 =	sadd.s32 $0x92400, s1;
	s28 =	sadd.s32 s25, s9  }
0x10: {  	s9 =	sshrl.u32 s9, $0x3;
	s25 =	simm.s32 $0x5;
	s26 =	sshll.u32 s20, $0x4  }
0x11: {  	s0 =	sshrl.u32 s28, $0x3;
	s10 =	sadd.s32 s2, s9;
	s11 =	smax.u32 s11, $0x1  }
0x12: {  	s20 =	simm.s32 $0x1;
	s7 =	sadd.s32 s15, s26;
	s9 =	sadd.s32 s2, s0  }
0x13: {  	s10 =	sadd.s32 $0x12480, s10;
	s0 =	sadd.s32 s30, s15;
	s26 =	simm.s32 $0x3  }
0x14: {  	s8 =	sadd.s32 $0x500, s7;
	s12 =	sadd.s32 $0xA00, s7;
	s13 =	sadd.s32 $0xF00, s7  }
0x15: {  	v0 =	vimm.f32 $0.0e+00;
	s14 =	sadd.s32 $0x1400, s7;
	s15 =	sadd.s32 s31, s0;
	s0 =	simm.s32 $0x0  }
.LBB2_1:
0x16: {  	s2 =	smul.u32 $0xCCCD, s3;
	_ =	sdelay $0x1  }
0x17: {  	s2 =	sshrl.u32 s2, $0x12  }
0x18: {  	s24 =	rddreg [dreg:$0x4];
	s4 =	smul.u32 $0x5, s2  }
0x19: {  	[tilespmem:s3], [sflag:$0x7] =	stream.linear.gather [hbm4b:s24+s3], $0x3E80, $0x38;
	[tilespmem:$0x1F880] =	vst v63  }
0x1a: {  	s24 =	simm.s32 $0x1;
	s4 =	ssub.s32 $0x0, s4  }
0x1b: {  	_ =	swait.ge [sflag:s16], $0x3E80;
	s24 =	smul.u32 $0xCCCD, s24;
	s4 =	sand.u32 $0xFFFF, s4  }
0x1c: {  	[sflag:s16] =	ssyncset.done $0x0;
	s2 =	sshll.u32 s2, $0x7;
	s4 =	sshll.u32 s4, $0x4  }
0x1d: {  	[sflag:s16] =	ssyncadd.s32 $0xFFFFC180;
	s28 =	sor.u32 s4, s2  }
0x1e: {  	s2 =	sshrl.u32 s24, $0x12;
	v1 =	vld [tilespmem:s28+$0x0]  }
0x1f: {  	s4 =	smul.u32 $0x5, s2;
	_ =	sdelay $0x1  }
0x20: {  	s24 =	simm.s32 $0x2;
	s4 =	ssub.s32 $0x1, s4  }
0x21: {  	s31 =	smul.u32 $0xCCCD, s24;
	s4 =	sand.u32 $0xFFFF, s4  }
0x22: {  	s30 =	simm.s32 $0x3;
	s2 =	sshll.u32 s2, $0x7;
	s4 =	sshll.u32 s4, $0x4;
	v1 =	vshrl.u32 v1, $0x1  }
.LBB2_2:
0x23: {  	p1 =	sne.s32 s30, $0x270;
	[tilespmem:s28+$0x0] =	vst v1;
	s28 =	sor.u32 s4, s2;
	s2 =	sshrl.u32 s31, $0x12  }
0x24: {  	v1 =	vld [tilespmem:s28+$0x0];
	s4 =	smul.u32 $0x5, s2  }
.Ltmp0:
0x25: {  	(pc) =	sbr.rel @p1 .LBB2_2-.Ltmp0, $4  }
0x26: {  	_ = 	snop  }
0x27: {  	s4 =	ssub.s32 s24, s4;
	s24 =	smov.u32 s30  }
0x28: {  	s31 =	smul.u32 $0xCCCD, s30;
	s4 =	sand.u32 $0xFFFF, s4  }
0x29: {  	s2 =	sshll.u32 s2, $0x7;
	s30 =	sadd.s32 $0x1, s30;
	s4 =	sshll.u32 s4, $0x4;
	v1 =	vshrl.u32 v1, $0x1  }
0x2a: {  	s2 =	sor.u32 s4, s2;
	[tilespmem:s28+$0x0] =	vst v1  }
0x2b: {  	s30 =	sshrl.u32 s31, $0x12;
	v1 =	vld [tilespmem:s2+$0x0]  }
0x2c: {  	s28 =	smul.u32 $0x5, s30;
	_ =	sdelay $0x1  }
0x2d: {  	s24 =	ssub.s32 s24, s28  }
0x2e: {  	s24 =	sand.u32 $0xFFFF, s24  }
0x2f: {  	s4 =	sshll.u32 s30, $0x7;
	s24 =	sshll.u32 s24, $0x4;
	v1 =	vshrl.u32 v1, $0x1  }
0x30: {  	s4 =	sor.u32 s24, s4;
	[tilespmem:s2+$0x0] =	vst v1  }
0x31: {  	v1 =	vld [tilespmem:s4+$0x0];
	_ =	sdelay $0x2  }
0x32: {  	s24 =	simm.s32 $0x0  }
0x33: {  	s31 =	sand.u32 $0x3FE00, s24  }
0x34: {  	s30 =	sand.u32 $0x70, s24;
	s2 =	sshrl.u32 s31, $0x2;
	v1 =	vshrl.u32 v1, $0x1  }
0x35: {  	s28 =	simm.s32 $0x40;
	s2 =	sor.u32 s30, s2;
	[tilespmem:s4+$0x0] =	vst v1  }
.LBB2_4:
0x36: {  	p1 =	sne.s32 s28, $0x28FC0  }
0x37: {  	[tilespmem:s2+$0xB800] =	vst v0;
	s24 =	sadd.s32 $0x10, s24;
	s2 =	smov.u32 s28;
	s28 =	sadd.s32 $0x40, s28  }
.Ltmp1:
0x38: {  	(pc) =	sbr.rel @p1 .LBB2_4-.Ltmp1, $4  }
0x39: {  	_ = 	snop  }
0x3a: {  	s2 =	sand.u32 $0x3FE00, s2  }
0x3b: {  	s4 =	sand.u32 $0x70, s24;
	s2 =	sshrl.u32 s2, $0x2  }
0x3c: {  	s2 =	sor.u32 s4, s2  }
0x3d: {  	[tilespmem:s2+$0xB800] =	vst v0;
	s2 =	simm.s32 @p0 $0xB800  }
0x3e: {  	[spmem:s6] =	stream.linear.scatter @p0 [tilespmem:s2], [sflag:$0x7], $0xA400, $0x38;
	[tilespmem:$0x1F880] =	vst v63  }
0x3f: {  	s2 =	simm.s32 @p0 $0x7  }
0x40: {  	_ =	swait.ge @p0 [sflag:s2], $0xA400  }
0x41: {  	[sflag:s2] =	ssyncset.done @p0 $0x0  }
0x42: {  	[sflag:s2] =	ssyncadd.s32 @p0 $0xFFFF5C00;
	s2 =	simm.s32 @!p0 $0xB800  }
0x43: {  	[spmem:s5] =	stream.linear.scatter @!p0 [tilespmem:s2], [sflag:$0x7], $0x9C00, $0x38;
	[tilespmem:$0x1F880] =	vst v63  }
0x44: {  	s2 =	simm.s32 @!p0 $0x7  }
0x45: {  	_ =	swait.ge @!p0 [sflag:s2], $0x9C00  }
0x46: {  	[sflag:s2] =	ssyncset.done @!p0 $0x0  }
0x47: {  	[sflag:s2] =	ssyncadd.s32 @!p0 $0xFFFF6400  }
0x48: {  	s31 =	simm.s32 $0x0;
	[bflag:$0x0] =	sbarrier.arrive $0xFFFF  }
0x49: {  	[tilespmem:s17], [sflag:$0x1] =	stream.linear.gather [hbm4b:s7+s31], $0x2800, $0x38;
	[tilespmem:$0x1F880] =	vst v63  }
0x4a: {  	_ = 	snop  }
0x4b: {  	[tilespmem:s18], [sflag:$0x2] =	stream.linear.gather [hbm4b:s8+s31], $0x2800, $0x38;
	[tilespmem:$0x1F880] =	vst v63  }
0x4c: {  	_ = 	snop  }
0x4d: {  	[tilespmem:s19], [sflag:$0x3] =	stream.linear.gather [hbm4b:s12+s31], $0x2800, $0x38;
	[tilespmem:$0x1F880] =	vst v63  }
0x4e: {  	_ =	swait.ge [sflag:s20], $0x2800  }
0x4f: {  	[sflag:s20] =	ssyncset.done $0x0  }
0x50: {  	[sflag:s20] =	ssyncadd.s32 $0xFFFFD800  }
0x51: {  	[spmem:s1] =	stream.indirect.scatter.add.f32 [tilespmem:s17], [sflag:$0x4], $0x80, s31, s21, $0xb8;
	[tilespmem:$0x1F880] =	vst v63  }
0x52: {  	_ =	swait.ge [sflag:s22], $0x2800  }
0x53: {  	[sflag:s22] =	ssyncset.done $0x0  }
0x54: {  	[sflag:s22] =	ssyncadd.s32 $0xFFFFD800  }
0x55: {  	[tilespmem:s17], [sflag:$0x1] =	stream.linear.gather [hbm4b:s13+s31], $0x2800, $0x38;
	[tilespmem:$0x1F880] =	vst v63  }
0x56: {  	_ =	swait.ge [sflag:s23], $0x2800  }
0x57: {  	[sflag:s23] =	ssyncset.done $0x0  }
0x58: {  	s4 =	simm.s32 $0x80;
	[sflag:s23] =	ssyncadd.s32 $0xFFFFD800  }
0x59: {  	[spmem:s1] =	stream.indirect.scatter.add.f32 [tilespmem:s18], [sflag:$0x5], $0x80, s4, s21, $0xb8;
	[tilespmem:$0x1F880] =	vst v63  }
0x5a: {  	_ =	swait.ge [sflag:s25], $0x2800  }
0x5b: {  	[sflag:s25] =	ssyncset.done $0x0  }
0x5c: {  	[sflag:s25] =	ssyncadd.s32 $0xFFFFD800  }
0x5d: {  	[tilespmem:s18], [sflag:$0x2] =	stream.linear.gather [hbm4b:s14+s31], $0x2800, $0x38;
	[tilespmem:$0x1F880] =	vst v63  }
0x5e: {  	_ =	swait.ge [sflag:s26], $0x2800  }
0x5f: {  	[sflag:s26] =	ssyncset.done $0x0  }
0x60: {  	s4 =	simm.s32 $0x100;
	[sflag:s26] =	ssyncadd.s32 $0xFFFFD800  }
0x61: {  	[spmem:s1] =	stream.indirect.scatter.add.f32 [tilespmem:s19], [sflag:$0x6], $0x80, s4, s21, $0xb8;
	[tilespmem:$0x1F880] =	vst v63  }
0x62: {  	_ =	swait.ge [sflag:s29], $0x2800  }
0x63: {  	s2 =	sadd.s32 $0x0, s15;
	[sflag:s29] =	ssyncset.done $0x0  }
0x64: {  	s24 =	sadd.s32 $0x1900, s2;
	[sflag:s29] =	ssyncadd.s32 $0xFFFFD800  }
0x65: {  	[tilespmem:s19], [sflag:$0x3] =	stream.linear.gather [hbm4b:s24+s3], $0x2800, $0x38;
	[tilespmem:$0x1F880] =	vst v63  }
0x66: {  	_ =	swait.ge [sflag:s20], $0x2800  }
0x67: {  	[sflag:s20] =	ssyncset.done $0x0  }
0x68: {  	s31 =	simm.s32 $0x180;
	[sflag:s20] =	ssyncadd.s32 $0xFFFFD800  }
0x69: {  	[spmem:s1] =	stream.indirect.scatter.add.f32 [tilespmem:s17], [sflag:$0x4], $0x80, s31, s21, $0xb8;
	[tilespmem:$0x1F880] =	vst v63  }
0x6a: {  	_ =	swait.ge [sflag:s22], $0x2800  }
0x6b: {  	[sflag:s22] =	ssyncset.done $0x0  }
0x6c: {  	s24 =	sadd.s32 $0x1E00, s2;
	[sflag:s22] =	ssyncadd.s32 $0xFFFFD800  }
0x6d: {  	[tilespmem:s17], [sflag:$0x1] =	stream.linear.gather [hbm4b:s24+s3], $0x2800, $0x38;
	[tilespmem:$0x1F880] =	vst v63  }
0x6e: {  	_ =	swait.ge [sflag:s23], $0x2800  }
0x6f: {  	[sflag:s23] =	ssyncset.done $0x0  }
0x70: {  	s31 =	simm.s32 $0x200;
	[sflag:s23] =	ssyncadd.s32 $0xFFFFD800  }
0x71: {  	[spmem:s1] =	stream.indirect.scatter.add.f32 [tilespmem:s18], [sflag:$0x5], $0x80, s31, s21, $0xb8;
	[tilespmem:$0x1F880] =	vst v63  }
0x72: {  	_ =	swait.ge [sflag:s25], $0x2800  }
0x73: {  	[sflag:s25] =	ssyncset.done $0x0  }
0x74: {  	s2 =	sadd.s32 $0x2300, s2;
	[sflag:s25] =	ssyncadd.s32 $0xFFFFD800  }
0x75: {  	[tilespmem:s18], [sflag:$0x2] =	stream.linear.gather [hbm4b:s2+s3], $0x2800, $0x38;
	[tilespmem:$0x1F880] =	vst v63  }
0x76: {  	_ =	swait.ge [sflag:s26], $0x2800  }
0x77: {  	s28 =	simm.s32 $0xF00;
	[sflag:s26] =	ssyncset.done $0x0  }
0x78: {  	s30 =	simm.s32 $0x400;
	s24 =	simm.s32 $0x280;
	[sflag:s26] =	ssyncadd.s32 $0xFFFFD800  }
.LBB2_6:
0x79: {  	[spmem:s1] =	stream.indirect.scatter.add.f32 [tilespmem:s19], [sflag:$0x6], $0x80, s24, s21, $0xb8;
	[tilespmem:$0x1F880] =	vst v63  }
0x7a: {  	s2 =	smov.u32 s28;
	s24 =	smov.u32 s30  }
0x7b: {  	p1 =	sne.s32 s28, $0x24900;
	s28 =	sadd.s32 $0xF00, s28;
	_ =	swait.ge [sflag:s29], $0x2800  }
0x7c: {  	s2 =	sadd.s32 s2, s15;
	[sflag:s29] =	ssyncset.done $0x0  }
0x7d: {  	s4 =	sadd.s32 $0x1900, s2;
	[sflag:s29] =	ssyncadd.s32 $0xFFFFD800  }
0x7e: {  	[tilespmem:s19], [sflag:$0x3] =	stream.linear.gather [hbm4b:s4+s3], $0x2800, $0x38;
	[tilespmem:$0x1F880] =	vst v63  }
0x7f: {  	_ =	swait.ge [sflag:s20], $0x2800  }
0x80: {  	[sflag:s20] =	ssyncset.done $0x0  }
0x81: {  	s4 =	sadd.s32 $0xFFFFFF00, s30;
	[sflag:s20] =	ssyncadd.s32 $0xFFFFD800  }
0x82: {  	[spmem:s1] =	stream.indirect.scatter.add.f32 [tilespmem:s17], [sflag:$0x4], $0x80, s4, s21, $0xb8;
	[tilespmem:$0x1F880] =	vst v63  }
0x83: {  	_ =	swait.ge [sflag:s22], $0x2800  }
0x84: {  	[sflag:s22] =	ssyncset.done $0x0  }
0x85: {  	s4 =	sadd.s32 $0x1E00, s2;
	[sflag:s22] =	ssyncadd.s32 $0xFFFFD800  }
0x86: {  	[tilespmem:s17], [sflag:$0x1] =	stream.linear.gather [hbm4b:s4+s3], $0x2800, $0x38;
	[tilespmem:$0x1F880] =	vst v63  }
0x87: {  	_ =	swait.ge [sflag:s23], $0x2800  }
0x88: {  	[sflag:s23] =	ssyncset.done $0x0  }
0x89: {  	s4 =	sadd.s32 $0xFFFFFF80, s30;
	[sflag:s23] =	ssyncadd.s32 $0xFFFFD800  }
0x8a: {  	[spmem:s1] =	stream.indirect.scatter.add.f32 [tilespmem:s18], [sflag:$0x5], $0x80, s4, s21, $0xb8;
	[tilespmem:$0x1F880] =	vst v63  }
0x8b: {  	_ =	swait.ge [sflag:s25], $0x2800  }
0x8c: {  	[sflag:s25] =	ssyncset.done $0x0  }
.Ltmp2:
0x8d: {  	s2 =	sadd.s32 $0x2300, s2;
	[sflag:s25] =	ssyncadd.s32 $0xFFFFD800;
	(pc) =	sbr.rel @p1 .LBB2_6-.Ltmp2, $4  }
0x8e: {  	[tilespmem:s18], [sflag:$0x2] =	stream.linear.gather [hbm4b:s2+s3], $0x2800, $0x38;
	[tilespmem:$0x1F880] =	vst v63  }
0x8f: {  	_ =	swait.ge [sflag:s26], $0x2800  }
0x90: {  	[sflag:s26] =	ssyncset.done $0x0  }
0x91: {  	s30 =	sadd.s32 $0x180, s30;
	[sflag:s26] =	ssyncadd.s32 $0xFFFFD800  }
0x92: {  	[spmem:s1] =	stream.indirect.scatter.add.f32 [tilespmem:s19], [sflag:$0x6], $0x80, s24, s21, $0xb8;
	[tilespmem:$0x1F880] =	vst v63  }
0x93: {  	_ =	swait.ge [sflag:s20], $0x2800  }
0x94: {  	[sflag:s20] =	ssyncset.done $0x0  }
0x95: {  	s2 =	simm.s32 $0x3D80;
	[sflag:s20] =	ssyncadd.s32 $0xFFFFD800  }
0x96: {  	[spmem:s1] =	stream.indirect.scatter.add.f32 [tilespmem:s17], [sflag:$0x4], $0x80, s2, s21, $0xb8;
	[tilespmem:$0x1F880] =	vst v63  }
0x97: {  	_ =	swait.ge [sflag:s23], $0x2800  }
0x98: {  	[sflag:s23] =	ssyncset.done $0x0  }
0x99: {  	s31 =	simm.s32 $0x3E00;
	[sflag:s23] =	ssyncadd.s32 $0xFFFFD800  }
0x9a: {  	[spmem:s1] =	stream.indirect.scatter.add.f32 [tilespmem:s18], [sflag:$0x5], $0x80, s31, s21, $0xb8;
	[tilespmem:$0x1F880] =	vst v63  }
0x9b: {  	_ =	swait.ge [sflag:s29], $0x2800  }
0x9c: {  	[sflag:s29] =	ssyncset.done $0x0  }
0x9d: {  	[sflag:s29] =	ssyncadd.s32 $0xFFFFD800  }
0x9e: {  	_ =	swait.ge [sflag:s22], $0x2800  }
0x9f: {  	[sflag:s22] =	ssyncset.done $0x0  }
0xa0: {  	[sflag:s22] =	ssyncadd.s32 $0xFFFFD800  }
0xa1: {  	_ =	swait.ge [sflag:s25], $0x2800  }
0xa2: {  	[sflag:s25] =	ssyncset.done $0x0  }
0xa3: {  	[sflag:s25] =	ssyncadd.s32 $0xFFFFD800  }
0xa4: {  	s4 =	simm.s32 @p0 $0x1FC7;
	s2 =	sshrl.u32 @p0 s6, $0x3;
	[bflag:$0x0] =	sbarrier.arrive $0xFFFF  }
0xa5: {  	[hbm:s10], [sflag:s4] =	dma.local @p0 [spmem:s2], $0x1480  }
0xa6: {  	s2 =	simm.s32 @p0 $0x7  }
0xa7: {  	s0 =	sadd.s32 $0x1, s0;
	s4 =	stileid.u32;
	_ =	swait.ge @p0 [sflag:s2], $0x1480  }
0xa8: {  	p1 =	sne.s32 s0, s11;
	s4 =	sshll.u32 @!p0 s4, $0x6;
	[sflag:s2] =	ssyncset.done @p0 $0x0  }
0xa9: {  	[sflag:s2] =	ssyncadd.s32 @p0 $0xFFFFEB80;
	s2 =	sor.u32 @!p0 $0x1C07, s4;
	s4 =	sshrl.u32 @!p0 s5, $0x3  }
0xaa: {  	[hbm:s9], [sflag:s2] =	dma.local @!p0 [spmem:s4], $0x1380  }
.Ltmp3:
0xab: {  	_ = 	snop;
	(pc) =	sbr.rel @p1 .LBB2_1-.Ltmp3, $4  }
0xac: {  	s2 =	simm.s32 @!p0 $0x7  }
0xad: {  	_ =	swait.ge @!p0 [sflag:s2], $0x1380  }
0xae: {  	[sflag:s2] =	ssyncset.done @!p0 $0x0  }
0xaf: {  	[sflag:s2] =	ssyncadd.s32 @!p0 $0xFFFFEC80  }
0xb0: {  	_ =	sfence.sel $0x180000  }
0xb1: {  	[bflag:$0x0] =	sbarrier.arrive $0xFFFF  }
0xb2: {  	_ =	strace $0x9000004A  }
0xb3: {  	s0 =	stileid.u32;
	[bflag:$0x2] =	sbarrier.arrive $0xFFFF  }
0xb4: {  	p0 =	sne.s32 s0, $0x0;
	s0 =	rddreg [dreg:$0x3]  }
0xb5: {  	s0 =	sadd.s32 @!p0 $0x100000, s0  }
0xb6: {  	[sflag:s0] =	ssyncadd.tile.s32 @!p0 $0x1;
	_ =	shalt  }
.Lfunc_end2:
_tile_overlayer_lowered:
.L_overlay_start_2:
0xb7: {  	(tag) =	ssettag $0x2  }
0xb8: {  	s0 =	rddreg [dreg:$0x0];
	s2 =	stileid.u32  }
0xb9: {  	s1 =	rddreg [dreg:$0x1];
	p0 =	sne.s32 s2, $0x0  }
0xba: {  	s3 =	rddreg [dreg:$0x2];
	[bflag:$0x3] =	sbarrier.arrive $0xFFFF;
	s2 =	simm.s32 @!p0 $0x1C07  }
0xbb: {  	[timem:s3], [sflag:s2] =	dma.local @!p0 [hbm:s0], s1  }
0xbc: {  	s0 =	simm.s32 @!p0 $0x7  }
0xbd: {  	_ =	swait.ge @!p0 [sflag:s0], s1  }
0xbe: {  	s1 =	ssub.s32 @!p0 $0x0, s1;
	[sflag:s0] =	ssyncset.done @!p0 $0x0  }
0xbf: {  	[sflag:s0] =	ssyncadd.s32 @!p0 s1  }
0xc0: {  	[bflag:$0x3] =	sbarrier.arrive $0xFFFF  }
0xc1: {  	_ =	shalt  }

</sc_bundles>
